<compile_context>
chip_gen: v7x
topology: tpu7x:2x2x1
jax: 0.10.2.dev20260603
libtpu: 0.0.44.dev20260713+nightly
codegen_flags: <defaults>
</compile_context>

<pallas_src>
import functools

import jax
import jax.numpy as jnp
from jax import lax
from jax.experimental import pallas as pl
from jax.experimental.pallas import tpu as pltpu
from jax.experimental.pallas import tpu_sc as plsc

_EPS = 1e-5
_NC = 2
_NS = 16
_NW = _NC * _NS
_CHUNK = 128
_GPI = 4
_ROWS_IT = _CHUNK * _GPI
_NBUF = 1
_CORE0_FRAC = 0.24


def _sc_gather(table, idx_flat, t_pad):
    h = table.shape[1]
    k_tot = t_pad // (_NS * _ROWS_IT)
    k0 = max(1, int(round(k_tot * _CORE0_FRAC)))
    k1 = k_tot - k0
    mesh = plsc.VectorSubcoreMesh(core_axis_name="c", subcore_axis_name="s")

    @functools.partial(
        pl.kernel,
        out_type=jax.ShapeDtypeStruct((t_pad, h), table.dtype),
        mesh=mesh,
        scratch_types=[
            pltpu.VMEM((_ROWS_IT,), jnp.int32),
            pltpu.VMEM((_ROWS_IT, h), table.dtype),
            pltpu.SemaphoreType.DMA,
        ],
    )
    def gk(table_hbm, idx_hbm, out_hbm, idx_v, rows_v, sem):
        c = lax.axis_index("c")
        s = lax.axis_index("s")
        base = jnp.where(c == 0, s * k0, _NS * k0 + s * k1) * _ROWS_IT
        iters = jnp.where(c == 0, k0, k1)

        def body(j, carry):
            r0 = base + j * _ROWS_IT
            pltpu.sync_copy(idx_hbm.at[pl.ds(r0, _ROWS_IT)], idx_v)
            copies = [
                pltpu.async_copy(
                    table_hbm.at[idx_v.at[pl.ds(g * _CHUNK, _CHUNK)]],
                    rows_v.at[pl.ds(g * _CHUNK, _CHUNK)],
                    sem,
                )
                for g in range(_GPI)
            ]
            for c in copies:
                c.wait()
            pltpu.sync_copy(rows_v, out_hbm.at[pl.ds(r0, _ROWS_IT)])
            return carry

        lax.fori_loop(0, iters, body, 0)

    return gk(table, idx_flat)


def _bn_affine(partials, gamma, beta, n):
    tot = jnp.sum(partials, axis=0)
    mu = tot[0:1] / n
    var = tot[1:2] / n - mu * mu
    s = gamma * lax.rsqrt(var + _EPS)
    t = beta - mu * s
    return s, t


def _part(out):
    s1 = jnp.sum(out, axis=0, keepdims=True)
    s2 = jnp.sum(out * out, axis=0, keepdims=True)
    return jnp.concatenate([s1, s2], axis=0)[None]


def _embed_body(x_ref, w_ref, b_ref, out_ref):
    out_ref[...] = (
        jnp.dot(x_ref[...], w_ref[...], preferred_element_type=jnp.float32)
        + b_ref[...]
    )


def _elu(x):
    return jnp.where(x > 0, x, jnp.exp(x) - 1.0)


def _passA_body(part_ref, gam_ref, bet_ref, a_ref, g_ref, p_ref,
                wmsg_ref, bmsg_ref, wself_ref, bself_ref, wpar_ref,
                out_ref, pout_ref, s_ref, t_ref, *, n, c_sz, k_sz):
    i = pl.program_id(0)

    @pl.when(i == 0)
    def _():
        s, t = _bn_affine(part_ref[...], gam_ref[...], bet_ref[...], n)
        s_ref[...] = s
        t_ref[...] = t

    s = s_ref[...]
    t = t_ref[...]
    h = a_ref[...] * s + t
    pn = p_ref[...] * s + t
    gn = [g_ref[:, j, :] * s + t for j in range(c_sz)]
    agg = jnp.zeros_like(h)
    for c in range(c_sz):
        acc = bmsg_ref[...]
        for k in range(k_sz):
            acc = acc + jnp.dot(gn[(c + k) % c_sz], wmsg_ref[k],
                                preferred_element_type=jnp.float32)
        agg = agg + _elu(acc)
    out = (
        jnp.dot(h, wself_ref[...], preferred_element_type=jnp.float32)
        + bself_ref[...]
        + jnp.dot(pn, wpar_ref[...], preferred_element_type=jnp.float32)
        + agg
        + h
    )
    out_ref[...] = out
    pout_ref[...] = _part(out)


def _passB_body(part_ref, gam_ref, bet_ref, b_ref,
                w1_ref, b1_ref, w2_ref, b2_ref,
                out_ref, pout_ref, s_ref, t_ref, *, n):
    i = pl.program_id(0)

    @pl.when(i == 0)
    def _():
        s, t = _bn_affine(part_ref[...], gam_ref[...], bet_ref[...], n)
        s_ref[...] = s
        t_ref[...] = t

    c = b_ref[...] * s_ref[...] + t_ref[...]
    u = jnp.maximum(
        jnp.dot(c, w1_ref[...], preferred_element_type=jnp.float32)
        + b1_ref[...],
        0.0,
    )
    d = (
        jnp.dot(u, w2_ref[...], preferred_element_type=jnp.float32)
        + b2_ref[...]
        + c
    )
    out_ref[...] = d
    pout_ref[...] = _part(d)


def _final_body(part_ref, gam_ref, bet_ref, b_ref, out_ref, s_ref, t_ref, *, n):
    i = pl.program_id(0)

    @pl.when(i == 0)
    def _():
        s, t = _bn_affine(part_ref[...], gam_ref[...], bet_ref[...], n)
        s_ref[...] = s
        t_ref[...] = t

    out_ref[...] = b_ref[...] * s_ref[...] + t_ref[...]


def kernel(x, edge_index, batch, circle_index, parallel_node_index,
           W_emb, b_emb, W_self, b_self, W_par, W_msg, b_msg,
           W1, b1, W2, b2, gamma1, beta1, gamma2, beta2):
    n, din = x.shape
    h_dim = W_emb.shape[1]
    n_layers = W_self.shape[0]
    c_sz = circle_index.shape[1]
    k_sz = W_msg.shape[1]
    bn = 1000
    nb = n // bn

    row = lambda i: pl.BlockSpec((bn, h_dim), lambda i_: (i_, 0))
    vec = pl.BlockSpec((1, h_dim), lambda i_: (0, 0))
    mat = pl.BlockSpec((h_dim, h_dim), lambda i_: (0, 0))
    part_in = pl.BlockSpec((nb, 2, h_dim), lambda i_: (0, 0, 0))
    part_out = pl.BlockSpec((1, 2, h_dim), lambda i_: (i_, 0, 0))
    row_f32 = jax.ShapeDtypeStruct((n, h_dim), jnp.float32)
    part_shape = jax.ShapeDtypeStruct((nb, 2, h_dim), jnp.float32)
    aff_scratch = [pltpu.VMEM((1, h_dim), jnp.float32),
                   pltpu.VMEM((1, h_dim), jnp.float32)]

    din_p = 128
    x_p = jnp.pad(x, ((0, 0), (0, din_p - din)))
    W_emb_p = jnp.pad(W_emb, ((0, din_p - din), (0, 0)))
    h0 = pl.pallas_call(
        _embed_body,
        grid=(nb,),
        in_specs=[pl.BlockSpec((bn, din_p), lambda i_: (i_, 0)),
                  pl.BlockSpec((din_p, h_dim), lambda i_: (0, 0)),
                  vec],
        out_specs=row(0),
        out_shape=row_f32,
    )(x_p, W_emb_p, b_emb[None])

    cidx = circle_index.astype(jnp.int32).reshape(-1)
    pidx = parallel_node_index.astype(jnp.int32)
    t_total = cidx.size + pidx.size
    quant = _NS * _ROWS_IT
    t_pad = -(-t_total // quant) * quant
    idx_flat = jnp.concatenate(
        [cidx, pidx, jnp.zeros((t_pad - t_total,), jnp.int32)])

    part = jnp.zeros((nb, 2, h_dim), jnp.float32).at[0, 1, :].set(
        n * (1.0 - _EPS))
    gam_p = jnp.ones((1, h_dim), jnp.float32)
    bet_p = jnp.zeros((1, h_dim), jnp.float32)

    a = h0
    for l in range(n_layers):
        rows = _sc_gather(a, idx_flat, t_pad)
        g_rows = rows[: n * c_sz].reshape(n, c_sz, h_dim)
        p_rows = rows[n * c_sz: n * c_sz + n]

        b_new, part1 = pl.pallas_call(
            functools.partial(_passA_body, n=n, c_sz=c_sz, k_sz=k_sz),
            grid=(nb,),
            in_specs=[part_in, vec, vec,
                      row(0),
                      pl.BlockSpec((bn, c_sz, h_dim), lambda i_: (i_, 0, 0)),
                      row(0),
                      pl.BlockSpec((k_sz, h_dim, h_dim), lambda i_: (0, 0, 0)),
                      vec, mat, vec, mat],
            out_specs=[row(0), part_out],
            out_shape=[row_f32, part_shape],
            scratch_shapes=aff_scratch,
        )(part, gam_p, bet_p, a, g_rows, p_rows,
          W_msg[l], b_msg[l][None],
          W_self[l], b_self[l][None], W_par[l])

        a, part = pl.pallas_call(
            functools.partial(_passB_body, n=n),
            grid=(nb,),
            in_specs=[part_in, vec, vec, row(0), mat, vec, mat, vec],
            out_specs=[row(0), part_out],
            out_shape=[row_f32, part_shape],
            scratch_shapes=aff_scratch,
        )(part1, gamma1[l][None], beta1[l][None], b_new,
          W1[l], b1[l][None], W2[l], b2[l][None])

        gam_p, bet_p = gamma2[l][None], beta2[l][None]

    out = pl.pallas_call(
        functools.partial(_final_body, n=n),
        grid=(nb,),
        in_specs=[part_in, vec, vec, row(0)],
        out_specs=row(0),
        out_shape=row_f32,
        scratch_shapes=aff_scratch,
    )(part, gam_p, bet_p, a)
    return out

# --- scband reference (transcript-rebuilt; emitter-appended) ---
"""Pipeline reference for scband-chi-ennmodel-73684458930716 (READ-ONLY COPY).

The authoritative reference and input builder live on the scoring server;
editing this copy changes nothing except your own understanding.
"""

import jax, jax.numpy as jnp
import numpy as np

N = 50000
E = 800000
C = 8      # circle size (ordered neighbors around each node)
K = 3      # k_neighbors: consecutive neighbors per chiral message
L = 3      # n_layers
DIN = 93
H = 128
EPS = 1e-5


def setup_inputs(seed: int = 0):
    key = jax.random.key(seed)
    ks = jax.random.split(key, 24)
    s = 0.05
    inp = {}
    inp['x'] = jax.random.normal(ks[0], (N, DIN), dtype=jnp.float32)
    inp['edge_index'] = jax.random.randint(ks[1], (2, E), 0, N, dtype=jnp.int64)
    inp['batch'] = jnp.sort(jax.random.randint(ks[2], (N,), 0, 64, dtype=jnp.int64))
    inp['circle_index'] = jax.random.randint(ks[3], (N, C), 0, N, dtype=jnp.int64)
    inp['parallel_node_index'] = jax.random.randint(ks[4], (N,), 0, N, dtype=jnp.int64)
    # learned parameters (stacked over layers)
    inp['W_emb'] = jax.random.normal(ks[5], (DIN, H), dtype=jnp.float32) * s
    inp['b_emb'] = jnp.zeros((H,), dtype=jnp.float32)
    inp['W_self'] = jax.random.normal(ks[6], (L, H, H), dtype=jnp.float32) * s
    inp['b_self'] = jnp.zeros((L, H), dtype=jnp.float32)
    inp['W_par'] = jax.random.normal(ks[7], (L, H, H), dtype=jnp.float32) * s
    inp['W_msg'] = jax.random.normal(ks[8], (L, K, H, H), dtype=jnp.float32) * s
    inp['b_msg'] = jnp.zeros((L, H), dtype=jnp.float32)
    inp['W1'] = jax.random.normal(ks[9], (L, H, H), dtype=jnp.float32) * s
    inp['b1'] = jnp.zeros((L, H), dtype=jnp.float32)
    inp['W2'] = jax.random.normal(ks[10], (L, H, H), dtype=jnp.float32) * s
    inp['b2'] = jnp.zeros((L, H), dtype=jnp.float32)
    inp['gamma1'] = jnp.ones((L, H), dtype=jnp.float32)
    inp['beta1'] = jnp.zeros((L, H), dtype=jnp.float32)
    inp['gamma2'] = jnp.ones((L, H), dtype=jnp.float32)
    inp['beta2'] = jnp.zeros((L, H), dtype=jnp.float32)
    return inp


def _batchnorm(h, gamma, beta):
    mu = jnp.mean(h, axis=0, keepdims=True)
    var = jnp.var(h, axis=0, keepdims=True)
    return gamma * (h - mu) / jnp.sqrt(var + EPS) + beta


def _chienn_layer(h, circle_index, parallel_node_index, W_self, b_self, W_par, W_msg, b_msg):
    # chiral-sensitive message: psi over k consecutive neighbors in circular order (eq. 4)
    m = jnp.zeros((h.shape[0], C, H), dtype=h.dtype)
    for s in range(K):
        idx = jnp.roll(circle_index, shift=-s, axis=1)  # [N, C]
        m = m + jnp.take(h, idx, axis=0) @ W_msg[s]
    m = jax.nn.elu(m + b_msg)
    agg = jnp.sum(m, axis=1)  # sum over circle positions
    return h @ W_self + b_self + jnp.take(h, parallel_node_index, axis=0) @ W_par + agg


def reference(x, edge_index, batch, circle_index, parallel_node_index,
              W_emb, b_emb, W_self, b_self, W_par, W_msg, b_msg,
              W1, b1, W2, b2, gamma1, beta1, gamma2, beta2):
    h = x @ W_emb + b_emb
    for l in range(L):
        res = h
        h = _chienn_layer(h, circle_index, parallel_node_index,
                          W_self[l], b_self[l], W_par[l], W_msg[l], b_msg[l]) + res
        h = _batchnorm(h, gamma1[l], beta1[l])
        h2 = jax.nn.relu(h @ W1[l] + b1[l]) @ W2[l] + b2[l]
        h = h2 + h
        h = _batchnorm(h, gamma2[l], beta2[l])
    return h

if __name__ == "__main__":
    import jax
    _d = setup_inputs()
    print(jax.jit(kernel)(*tuple(_d.values())))

</pallas_src>

<mosaic_0001>
#map = affine_map<(d0, d1) -> (0, 0)>
#map1 = affine_map<(d0, d1) -> (0)>
module attributes {stable_mosaic.version = 14 : i64} {
  func.func @gk(%arg0: i32, %arg1: i32, %arg2: memref<50000x128xf32, #tpu.memory_space<hbm>>, %arg3: memref<450560xi32, #tpu.memory_space<hbm>>, %arg4: memref<450560x128xf32, #tpu.memory_space<hbm>>, %arg5: memref<512xi32, #tpu.memory_space<vmem>>, %arg6: memref<512x128xf32, #tpu.memory_space<vmem>>, %arg7: memref<!tpu.dma_semaphore, #tpu.memory_space<semaphore_mem>>) attributes {dimension_semantics = [#tpu.dimension_semantics<core_parallel>, #tpu.dimension_semantics<subcore_parallel>], iteration_bounds = array<i64: 2, 16>, scalar_prefetch = 0 : i64, scratch_operands = 3 : i64, tpu.core_type = #tpu.core_type<sc_vector_subcore>, window_params = [{transform_indices = #map}, {transform_indices = #map1}, {transform_indices = #map}]} {
    %eq3A = arith.constant 0 : i32
    %eq3A_0 = arith.cmpi eq, %arg0, %eq3A : i32
    %mul3A = arith.constant 13 : i32
    %mul3A_1 = arith.muli %arg1, %mul3A : i32
    %mul3A_2 = arith.constant 42 : i32
    %mul3A_3 = arith.muli %arg1, %mul3A_2 : i32
    %add3A = arith.constant 208 : i32
    %add3A_4 = arith.addi %add3A, %mul3A_3 : i32
    %select_n3A = arith.select %eq3A_0, %mul3A_1, %add3A_4 : i32
    %mul3A_5 = arith.constant 512 : i32
    %mul3A_6 = arith.muli %select_n3A, %mul3A_5 : i32
    %eq3A_7 = arith.constant 0 : i32
    %eq3A_8 = arith.cmpi eq, %arg0, %eq3A_7 : i32
    %jit3A = arith.constant 13 : i32
    %jit3A_9 = arith.constant 42 : i32
    %select_n3A_10 = arith.select %eq3A_8, %jit3A, %jit3A_9 : i32
    %while3A = arith.constant 0 : i32
    %while3A_11 = arith.constant 0 : i32
    %while3A_12 = arith.subi %select_n3A_10, %while3A_11 : i32
    %while3A_13 = arith.addi %while3A_11, %while3A_12 : i32
    %while3A_14 = arith.constant 1 : i32
    %while3A_15 = arith.divsi %while3A_12, %while3A_14 : i32
    %while3A_16 = arith.muli %while3A_15, %while3A_14 : i32
    %while3A_17 = arith.addi %while3A_11, %while3A_16 : i32
    %while3A_18 = arith.constant 1 : i32
    scf.for %while3A_20 = %while3A_11 to %while3A_17 step %while3A_18  : i32 {
      %mul3A_21 = arith.constant 512 : i32
      %mul3A_22 = arith.muli %while3A_20, %mul3A_21 : i32
      %add3A_23 = arith.addi %mul3A_6, %mul3A_22 : i32
      "tpu.region"() ({
        %run_scoped3A = tpu.sem_alloc : memref<!tpu.dma_semaphore, #tpu.memory_space<semaphore_mem>>
        %dma_start3A_86 = tpu.memref_slice %arg3[%add3A_23] : memref<450560xi32, #tpu.memory_space<hbm>> -> memref<512xi32, #tpu.memory_space<hbm>>
        %dma_start3A_87 = tpu.memref_slice %arg3[%add3A_23] : memref<450560xi32, #tpu.memory_space<hbm>> -> memref<512xi32, #tpu.memory_space<hbm>>
        tpu.enqueue_dma source(%dma_start3A_87 : memref<512xi32, #tpu.memory_space<hbm>>) target(%arg5 : memref<512xi32, #tpu.memory_space<vmem>>) target_semaphore(%run_scoped3A : memref<!tpu.dma_semaphore, #tpu.memory_space<semaphore_mem>>)
        %dma_wait3A_88 = tpu.memref_slice %arg3[%add3A_23] : memref<450560xi32, #tpu.memory_space<hbm>> -> memref<512xi32, #tpu.memory_space<hbm>>
        %dma_wait3A_89 = tpu.memref_slice %arg3[%add3A_23] : memref<450560xi32, #tpu.memory_space<hbm>> -> memref<512xi32, #tpu.memory_space<hbm>>
        tpu.wait_dma2 semaphore(%run_scoped3A : memref<!tpu.dma_semaphore, #tpu.memory_space<semaphore_mem>>) src(%dma_wait3A_89 : memref<512xi32, #tpu.memory_space<hbm>>) dst(%arg5 : memref<512xi32, #tpu.memory_space<vmem>>)
        tpu.yield
      }) : () -> ()
      %dma_start3A = arith.constant 0 : i32
      %dma_start3A_24 = arith.constant 0 : i32
      %dma_start3A_25 = tpu.memref_slice %arg6[%dma_start3A, %dma_start3A_24] : memref<512x128xf32, #tpu.memory_space<vmem>> -> memref<128x128xf32, #tpu.memory_space<vmem>>
      %dma_start3A_26 = arith.constant 0 : i32
      %dma_start3A_27 = tpu.memref_slice %arg5[%dma_start3A_26] : memref<512xi32, #tpu.memory_space<vmem>> -> memref<128xi32, #tpu.memory_space<vmem>>
      %dma_start3A_28 = arith.constant 0 : i32
      %dma_start3A_29 = arith.constant 0 : i32
      %dma_start3A_30 = tpu.memref_slice %arg2[%dma_start3A_28, %dma_start3A_29] : memref<50000x128xf32, #tpu.memory_space<hbm>> -> memref<50000x128xf32, #tpu.memory_space<hbm>>
      tpu.enqueue_indirect_dma source(%dma_start3A_30 : memref<50000x128xf32, #tpu.memory_space<hbm>>) target(%dma_start3A_25 : memref<128x128xf32, #tpu.memory_space<vmem>>) offsets(%dma_start3A_27 : memref<128xi32, #tpu.memory_space<vmem>>) semaphore(%arg7 : memref<!tpu.dma_semaphore, #tpu.memory_space<semaphore_mem>>)
      %dma_start3A_31 = arith.constant 128 : i32
      %dma_start3A_32 = arith.constant 0 : i32
      %dma_start3A_33 = tpu.memref_slice %arg6[%dma_start3A_31, %dma_start3A_32] : memref<512x128xf32, #tpu.memory_space<vmem>> -> memref<128x128xf32, #tpu.memory_space<vmem>>
      %dma_start3A_34 = arith.constant 128 : i32
      %dma_start3A_35 = tpu.memref_slice %arg5[%dma_start3A_34] : memref<512xi32, #tpu.memory_space<vmem>> -> memref<128xi32, #tpu.memory_space<vmem>>
      %dma_start3A_36 = arith.constant 0 : i32
      %dma_start3A_37 = arith.constant 0 : i32
      %dma_start3A_38 = tpu.memref_slice %arg2[%dma_start3A_36, %dma_start3A_37] : memref<50000x128xf32, #tpu.memory_space<hbm>> -> memref<50000x128xf32, #tpu.memory_space<hbm>>
      tpu.enqueue_indirect_dma source(%dma_start3A_38 : memref<50000x128xf32, #tpu.memory_space<hbm>>) target(%dma_start3A_33 : memref<128x128xf32, #tpu.memory_space<vmem>>) offsets(%dma_start3A_35 : memref<128xi32, #tpu.memory_space<vmem>>) semaphore(%arg7 : memref<!tpu.dma_semaphore, #tpu.memory_space<semaphore_mem>>)
      %dma_start3A_39 = arith.constant 256 : i32
      %dma_start3A_40 = arith.constant 0 : i32
      %dma_start3A_41 = tpu.memref_slice %arg6[%dma_start3A_39, %dma_start3A_40] : memref<512x128xf32, #tpu.memory_space<vmem>> -> memref<128x128xf32, #tpu.memory_space<vmem>>
      %dma_start3A_42 = arith.constant 256 : i32
      %dma_start3A_43 = tpu.memref_slice %arg5[%dma_start3A_42] : memref<512xi32, #tpu.memory_space<vmem>> -> memref<128xi32, #tpu.memory_space<vmem>>
      %dma_start3A_44 = arith.constant 0 : i32
      %dma_start3A_45 = arith.constant 0 : i32
      %dma_start3A_46 = tpu.memref_slice %arg2[%dma_start3A_44, %dma_start3A_45] : memref<50000x128xf32, #tpu.memory_space<hbm>> -> memref<50000x128xf32, #tpu.memory_space<hbm>>
      tpu.enqueue_indirect_dma source(%dma_start3A_46 : memref<50000x128xf32, #tpu.memory_space<hbm>>) target(%dma_start3A_41 : memref<128x128xf32, #tpu.memory_space<vmem>>) offsets(%dma_start3A_43 : memref<128xi32, #tpu.memory_space<vmem>>) semaphore(%arg7 : memref<!tpu.dma_semaphore, #tpu.memory_space<semaphore_mem>>)
      %dma_start3A_47 = arith.constant 384 : i32
      %dma_start3A_48 = arith.constant 0 : i32
      %dma_start3A_49 = tpu.memref_slice %arg6[%dma_start3A_47, %dma_start3A_48] : memref<512x128xf32, #tpu.memory_space<vmem>> -> memref<128x128xf32, #tpu.memory_space<vmem>>
      %dma_start3A_50 = arith.constant 384 : i32
      %dma_start3A_51 = tpu.memref_slice %arg5[%dma_start3A_50] : memref<512xi32, #tpu.memory_space<vmem>> -> memref<128xi32, #tpu.memory_space<vmem>>
      %dma_start3A_52 = arith.constant 0 : i32
      %dma_start3A_53 = arith.constant 0 : i32
      %dma_start3A_54 = tpu.memref_slice %arg2[%dma_start3A_52, %dma_start3A_53] : memref<50000x128xf32, #tpu.memory_space<hbm>> -> memref<50000x128xf32, #tpu.memory_space<hbm>>
      tpu.enqueue_indirect_dma source(%dma_start3A_54 : memref<50000x128xf32, #tpu.memory_space<hbm>>) target(%dma_start3A_49 : memref<128x128xf32, #tpu.memory_space<vmem>>) offsets(%dma_start3A_51 : memref<128xi32, #tpu.memory_space<vmem>>) semaphore(%arg7 : memref<!tpu.dma_semaphore, #tpu.memory_space<semaphore_mem>>)
      %dma_wait3A = arith.constant 0 : i32
      %dma_wait3A_55 = arith.constant 0 : i32
      %dma_wait3A_56 = tpu.memref_slice %arg6[%dma_wait3A, %dma_wait3A_55] : memref<512x128xf32, #tpu.memory_space<vmem>> -> memref<128x128xf32, #tpu.memory_space<vmem>>
      %dma_wait3A_57 = arith.constant 0 : i32
      %dma_wait3A_58 = tpu.memref_slice %arg5[%dma_wait3A_57] : memref<512xi32, #tpu.memory_space<vmem>> -> memref<128xi32, #tpu.memory_space<vmem>>
      %dma_wait3A_59 = arith.constant 0 : i32
      %dma_wait3A_60 = arith.constant 0 : i32
      %dma_wait3A_61 = tpu.memref_slice %arg2[%dma_wait3A_59, %dma_wait3A_60] : memref<50000x128xf32, #tpu.memory_space<hbm>> -> memref<50000x128xf32, #tpu.memory_space<hbm>>
      tpu.wait_indirect_dma semaphore(%arg7 : memref<!tpu.dma_semaphore, #tpu.memory_space<semaphore_mem>>) src(%dma_wait3A_61 : memref<50000x128xf32, #tpu.memory_space<hbm>>) dst(%dma_wait3A_56 : memref<128x128xf32, #tpu.memory_space<vmem>>)
      %dma_wait3A_62 = arith.constant 128 : i32
      %dma_wait3A_63 = arith.constant 0 : i32
      %dma_wait3A_64 = tpu.memref_slice %arg6[%dma_wait3A_62, %dma_wait3A_63] : memref<512x128xf32, #tpu.memory_space<vmem>> -> memref<128x128xf32, #tpu.memory_space<vmem>>
      %dma_wait3A_65 = arith.constant 128 : i32
      %dma_wait3A_66 = tpu.memref_slice %arg5[%dma_wait3A_65] : memref<512xi32, #tpu.memory_space<vmem>> -> memref<128xi32, #tpu.memory_space<vmem>>
      %dma_wait3A_67 = arith.constant 0 : i32
      %dma_wait3A_68 = arith.constant 0 : i32
      %dma_wait3A_69 = tpu.memref_slice %arg2[%dma_wait3A_67, %dma_wait3A_68] : memref<50000x128xf32, #tpu.memory_space<hbm>> -> memref<50000x128xf32, #tpu.memory_space<hbm>>
      tpu.wait_indirect_dma semaphore(%arg7 : memref<!tpu.dma_semaphore, #tpu.memory_space<semaphore_mem>>) src(%dma_wait3A_69 : memref<50000x128xf32, #tpu.memory_space<hbm>>) dst(%dma_wait3A_64 : memref<128x128xf32, #tpu.memory_space<vmem>>)
      %dma_wait3A_70 = arith.constant 256 : i32
      %dma_wait3A_71 = arith.constant 0 : i32
      %dma_wait3A_72 = tpu.memref_slice %arg6[%dma_wait3A_70, %dma_wait3A_71] : memref<512x128xf32, #tpu.memory_space<vmem>> -> memref<128x128xf32, #tpu.memory_space<vmem>>
      %dma_wait3A_73 = arith.constant 256 : i32
      %dma_wait3A_74 = tpu.memref_slice %arg5[%dma_wait3A_73] : memref<512xi32, #tpu.memory_space<vmem>> -> memref<128xi32, #tpu.memory_space<vmem>>
      %dma_wait3A_75 = arith.constant 0 : i32
      %dma_wait3A_76 = arith.constant 0 : i32
      %dma_wait3A_77 = tpu.memref_slice %arg2[%dma_wait3A_75, %dma_wait3A_76] : memref<50000x128xf32, #tpu.memory_space<hbm>> -> memref<50000x128xf32, #tpu.memory_space<hbm>>
      tpu.wait_indirect_dma semaphore(%arg7 : memref<!tpu.dma_semaphore, #tpu.memory_space<semaphore_mem>>) src(%dma_wait3A_77 : memref<50000x128xf32, #tpu.memory_space<hbm>>) dst(%dma_wait3A_72 : memref<128x128xf32, #tpu.memory_space<vmem>>)
      %dma_wait3A_78 = arith.constant 384 : i32
      %dma_wait3A_79 = arith.constant 0 : i32
      %dma_wait3A_80 = tpu.memref_slice %arg6[%dma_wait3A_78, %dma_wait3A_79] : memref<512x128xf32, #tpu.memory_space<vmem>> -> memref<128x128xf32, #tpu.memory_space<vmem>>
      %dma_wait3A_81 = arith.constant 384 : i32
      %dma_wait3A_82 = tpu.memref_slice %arg5[%dma_wait3A_81] : memref<512xi32, #tpu.memory_space<vmem>> -> memref<128xi32, #tpu.memory_space<vmem>>
      %dma_wait3A_83 = arith.constant 0 : i32
      %dma_wait3A_84 = arith.constant 0 : i32
      %dma_wait3A_85 = tpu.memref_slice %arg2[%dma_wait3A_83, %dma_wait3A_84] : memref<50000x128xf32, #tpu.memory_space<hbm>> -> memref<50000x128xf32, #tpu.memory_space<hbm>>
      tpu.wait_indirect_dma semaphore(%arg7 : memref<!tpu.dma_semaphore, #tpu.memory_space<semaphore_mem>>) src(%dma_wait3A_85 : memref<50000x128xf32, #tpu.memory_space<hbm>>) dst(%dma_wait3A_80 : memref<128x128xf32, #tpu.memory_space<vmem>>)
      "tpu.region"() ({
        %run_scoped3A = tpu.sem_alloc : memref<!tpu.dma_semaphore, #tpu.memory_space<semaphore_mem>>
        %dma_start3A_86 = arith.constant 0 : i32
        %dma_start3A_87 = tpu.memref_slice %arg4[%add3A_23, %dma_start3A_86] : memref<450560x128xf32, #tpu.memory_space<hbm>> -> memref<512x128xf32, #tpu.memory_space<hbm>>
        %dma_start3A_88 = arith.constant 0 : i32
        %dma_start3A_89 = tpu.memref_slice %arg4[%add3A_23, %dma_start3A_88] : memref<450560x128xf32, #tpu.memory_space<hbm>> -> memref<512x128xf32, #tpu.memory_space<hbm>>
        tpu.enqueue_dma source(%arg6 : memref<512x128xf32, #tpu.memory_space<vmem>>) target(%dma_start3A_89 : memref<512x128xf32, #tpu.memory_space<hbm>>) target_semaphore(%run_scoped3A : memref<!tpu.dma_semaphore, #tpu.memory_space<semaphore_mem>>)
        %dma_wait3A_90 = arith.constant 0 : i32
        %dma_wait3A_91 = tpu.memref_slice %arg4[%add3A_23, %dma_wait3A_90] : memref<450560x128xf32, #tpu.memory_space<hbm>> -> memref<512x128xf32, #tpu.memory_space<hbm>>
        %dma_wait3A_92 = arith.constant 0 : i32
        %dma_wait3A_93 = tpu.memref_slice %arg4[%add3A_23, %dma_wait3A_92] : memref<450560x128xf32, #tpu.memory_space<hbm>> -> memref<512x128xf32, #tpu.memory_space<hbm>>
        tpu.wait_dma2 semaphore(%run_scoped3A : memref<!tpu.dma_semaphore, #tpu.memory_space<semaphore_mem>>) src(%arg6 : memref<512x128xf32, #tpu.memory_space<vmem>>) dst(%dma_wait3A_93 : memref<512x128xf32, #tpu.memory_space<hbm>>)
        tpu.yield
      }) : () -> ()
    }
    %while3A_19 = arith.constant 1 : i32
    scf.for %while3A_20 = %while3A_17 to %while3A_13 step %while3A_19  : i32 {
      %mul3A_21 = arith.constant 512 : i32
      %mul3A_22 = arith.muli %while3A_20, %mul3A_21 : i32
      %add3A_23 = arith.addi %mul3A_6, %mul3A_22 : i32
      "tpu.region"() ({
        %run_scoped3A = tpu.sem_alloc : memref<!tpu.dma_semaphore, #tpu.memory_space<semaphore_mem>>
        %dma_start3A_86 = tpu.memref_slice %arg3[%add3A_23] : memref<450560xi32, #tpu.memory_space<hbm>> -> memref<512xi32, #tpu.memory_space<hbm>>
        %dma_start3A_87 = tpu.memref_slice %arg3[%add3A_23] : memref<450560xi32, #tpu.memory_space<hbm>> -> memref<512xi32, #tpu.memory_space<hbm>>
        tpu.enqueue_dma source(%dma_start3A_87 : memref<512xi32, #tpu.memory_space<hbm>>) target(%arg5 : memref<512xi32, #tpu.memory_space<vmem>>) target_semaphore(%run_scoped3A : memref<!tpu.dma_semaphore, #tpu.memory_space<semaphore_mem>>)
        %dma_wait3A_88 = tpu.memref_slice %arg3[%add3A_23] : memref<450560xi32, #tpu.memory_space<hbm>> -> memref<512xi32, #tpu.memory_space<hbm>>
        %dma_wait3A_89 = tpu.memref_slice %arg3[%add3A_23] : memref<450560xi32, #tpu.memory_space<hbm>> -> memref<512xi32, #tpu.memory_space<hbm>>
        tpu.wait_dma2 semaphore(%run_scoped3A : memref<!tpu.dma_semaphore, #tpu.memory_space<semaphore_mem>>) src(%dma_wait3A_89 : memref<512xi32, #tpu.memory_space<hbm>>) dst(%arg5 : memref<512xi32, #tpu.memory_space<vmem>>)
        tpu.yield
      }) : () -> ()
      %dma_start3A = arith.constant 0 : i32
      %dma_start3A_24 = arith.constant 0 : i32
      %dma_start3A_25 = tpu.memref_slice %arg6[%dma_start3A, %dma_start3A_24] : memref<512x128xf32, #tpu.memory_space<vmem>> -> memref<128x128xf32, #tpu.memory_space<vmem>>
      %dma_start3A_26 = arith.constant 0 : i32
      %dma_start3A_27 = tpu.memref_slice %arg5[%dma_start3A_26] : memref<512xi32, #tpu.memory_space<vmem>> -> memref<128xi32, #tpu.memory_space<vmem>>
      %dma_start3A_28 = arith.constant 0 : i32
      %dma_start3A_29 = arith.constant 0 : i32
      %dma_start3A_30 = tpu.memref_slice %arg2[%dma_start3A_28, %dma_start3A_29] : memref<50000x128xf32, #tpu.memory_space<hbm>> -> memref<50000x128xf32, #tpu.memory_space<hbm>>
      tpu.enqueue_indirect_dma source(%dma_start3A_30 : memref<50000x128xf32, #tpu.memory_space<hbm>>) target(%dma_start3A_25 : memref<128x128xf32, #tpu.memory_space<vmem>>) offsets(%dma_start3A_27 : memref<128xi32, #tpu.memory_space<vmem>>) semaphore(%arg7 : memref<!tpu.dma_semaphore, #tpu.memory_space<semaphore_mem>>)
      %dma_start3A_31 = arith.constant 128 : i32
      %dma_start3A_32 = arith.constant 0 : i32
      %dma_start3A_33 = tpu.memref_slice %arg6[%dma_start3A_31, %dma_start3A_32] : memref<512x128xf32, #tpu.memory_space<vmem>> -> memref<128x128xf32, #tpu.memory_space<vmem>>
      %dma_start3A_34 = arith.constant 128 : i32
      %dma_start3A_35 = tpu.memref_slice %arg5[%dma_start3A_34] : memref<512xi32, #tpu.memory_space<vmem>> -> memref<128xi32, #tpu.memory_space<vmem>>
      %dma_start3A_36 = arith.constant 0 : i32
      %dma_start3A_37 = arith.constant 0 : i32
      %dma_start3A_38 = tpu.memref_slice %arg2[%dma_start3A_36, %dma_start3A_37] : memref<50000x128xf32, #tpu.memory_space<hbm>> -> memref<50000x128xf32, #tpu.memory_space<hbm>>
      tpu.enqueue_indirect_dma source(%dma_start3A_38 : memref<50000x128xf32, #tpu.memory_space<hbm>>) target(%dma_start3A_33 : memref<128x128xf32, #tpu.memory_space<vmem>>) offsets(%dma_start3A_35 : memref<128xi32, #tpu.memory_space<vmem>>) semaphore(%arg7 : memref<!tpu.dma_semaphore, #tpu.memory_space<semaphore_mem>>)
      %dma_start3A_39 = arith.constant 256 : i32
      %dma_start3A_40 = arith.constant 0 : i32
      %dma_start3A_41 = tpu.memref_slice %arg6[%dma_start3A_39, %dma_start3A_40] : memref<512x128xf32, #tpu.memory_space<vmem>> -> memref<128x128xf32, #tpu.memory_space<vmem>>
      %dma_start3A_42 = arith.constant 256 : i32
      %dma_start3A_43 = tpu.memref_slice %arg5[%dma_start3A_42] : memref<512xi32, #tpu.memory_space<vmem>> -> memref<128xi32, #tpu.memory_space<vmem>>
      %dma_start3A_44 = arith.constant 0 : i32
      %dma_start3A_45 = arith.constant 0 : i32
      %dma_start3A_46 = tpu.memref_slice %arg2[%dma_start3A_44, %dma_start3A_45] : memref<50000x128xf32, #tpu.memory_space<hbm>> -> memref<50000x128xf32, #tpu.memory_space<hbm>>
      tpu.enqueue_indirect_dma source(%dma_start3A_46 : memref<50000x128xf32, #tpu.memory_space<hbm>>) target(%dma_start3A_41 : memref<128x128xf32, #tpu.memory_space<vmem>>) offsets(%dma_start3A_43 : memref<128xi32, #tpu.memory_space<vmem>>) semaphore(%arg7 : memref<!tpu.dma_semaphore, #tpu.memory_space<semaphore_mem>>)
      %dma_start3A_47 = arith.constant 384 : i32
      %dma_start3A_48 = arith.constant 0 : i32
      %dma_start3A_49 = tpu.memref_slice %arg6[%dma_start3A_47, %dma_start3A_48] : memref<512x128xf32, #tpu.memory_space<vmem>> -> memref<128x128xf32, #tpu.memory_space<vmem>>
      %dma_start3A_50 = arith.constant 384 : i32
      %dma_start3A_51 = tpu.memref_slice %arg5[%dma_start3A_50] : memref<512xi32, #tpu.memory_space<vmem>> -> memref<128xi32, #tpu.memory_space<vmem>>
      %dma_start3A_52 = arith.constant 0 : i32
      %dma_start3A_53 = arith.constant 0 : i32
      %dma_start3A_54 = tpu.memref_slice %arg2[%dma_start3A_52, %dma_start3A_53] : memref<50000x128xf32, #tpu.memory_space<hbm>> -> memref<50000x128xf32, #tpu.memory_space<hbm>>
      tpu.enqueue_indirect_dma source(%dma_start3A_54 : memref<50000x128xf32, #tpu.memory_space<hbm>>) target(%dma_start3A_49 : memref<128x128xf32, #tpu.memory_space<vmem>>) offsets(%dma_start3A_51 : memref<128xi32, #tpu.memory_space<vmem>>) semaphore(%arg7 : memref<!tpu.dma_semaphore, #tpu.memory_space<semaphore_mem>>)
      %dma_wait3A = arith.constant 0 : i32
      %dma_wait3A_55 = arith.constant 0 : i32
      %dma_wait3A_56 = tpu.memref_slice %arg6[%dma_wait3A, %dma_wait3A_55] : memref<512x128xf32, #tpu.memory_space<vmem>> -> memref<128x128xf32, #tpu.memory_space<vmem>>
      %dma_wait3A_57 = arith.constant 0 : i32
      %dma_wait3A_58 = tpu.memref_slice %arg5[%dma_wait3A_57] : memref<512xi32, #tpu.memory_space<vmem>> -> memref<128xi32, #tpu.memory_space<vmem>>
      %dma_wait3A_59 = arith.constant 0 : i32
      %dma_wait3A_60 = arith.constant 0 : i32
      %dma_wait3A_61 = tpu.memref_slice %arg2[%dma_wait3A_59, %dma_wait3A_60] : memref<50000x128xf32, #tpu.memory_space<hbm>> -> memref<50000x128xf32, #tpu.memory_space<hbm>>
      tpu.wait_indirect_dma semaphore(%arg7 : memref<!tpu.dma_semaphore, #tpu.memory_space<semaphore_mem>>) src(%dma_wait3A_61 : memref<50000x128xf32, #tpu.memory_space<hbm>>) dst(%dma_wait3A_56 : memref<128x128xf32, #tpu.memory_space<vmem>>)
      %dma_wait3A_62 = arith.constant 128 : i32
      %dma_wait3A_63 = arith.constant 0 : i32
      %dma_wait3A_64 = tpu.memref_slice %arg6[%dma_wait3A_62, %dma_wait3A_63] : memref<512x128xf32, #tpu.memory_space<vmem>> -> memref<128x128xf32, #tpu.memory_space<vmem>>
      %dma_wait3A_65 = arith.constant 128 : i32
      %dma_wait3A_66 = tpu.memref_slice %arg5[%dma_wait3A_65] : memref<512xi32, #tpu.memory_space<vmem>> -> memref<128xi32, #tpu.memory_space<vmem>>
      %dma_wait3A_67 = arith.constant 0 : i32
      %dma_wait3A_68 = arith.constant 0 : i32
      %dma_wait3A_69 = tpu.memref_slice %arg2[%dma_wait3A_67, %dma_wait3A_68] : memref<50000x128xf32, #tpu.memory_space<hbm>> -> memref<50000x128xf32, #tpu.memory_space<hbm>>
      tpu.wait_indirect_dma semaphore(%arg7 : memref<!tpu.dma_semaphore, #tpu.memory_space<semaphore_mem>>) src(%dma_wait3A_69 : memref<50000x128xf32, #tpu.memory_space<hbm>>) dst(%dma_wait3A_64 : memref<128x128xf32, #tpu.memory_space<vmem>>)
      %dma_wait3A_70 = arith.constant 256 : i32
      %dma_wait3A_71 = arith.constant 0 : i32
      %dma_wait3A_72 = tpu.memref_slice %arg6[%dma_wait3A_70, %dma_wait3A_71] : memref<512x128xf32, #tpu.memory_space<vmem>> -> memref<128x128xf32, #tpu.memory_space<vmem>>
      %dma_wait3A_73 = arith.constant 256 : i32
      %dma_wait3A_74 = tpu.memref_slice %arg5[%dma_wait3A_73] : memref<512xi32, #tpu.memory_space<vmem>> -> memref<128xi32, #tpu.memory_space<vmem>>
      %dma_wait3A_75 = arith.constant 0 : i32
      %dma_wait3A_76 = arith.constant 0 : i32
      %dma_wait3A_77 = tpu.memref_slice %arg2[%dma_wait3A_75, %dma_wait3A_76] : memref<50000x128xf32, #tpu.memory_space<hbm>> -> memref<50000x128xf32, #tpu.memory_space<hbm>>
      tpu.wait_indirect_dma semaphore(%arg7 : memref<!tpu.dma_semaphore, #tpu.memory_space<semaphore_mem>>) src(%dma_wait3A_77 : memref<50000x128xf32, #tpu.memory_space<hbm>>) dst(%dma_wait3A_72 : memref<128x128xf32, #tpu.memory_space<vmem>>)
      %dma_wait3A_78 = arith.constant 384 : i32
      %dma_wait3A_79 = arith.constant 0 : i32
      %dma_wait3A_80 = tpu.memref_slice %arg6[%dma_wait3A_78, %dma_wait3A_79] : memref<512x128xf32, #tpu.memory_space<vmem>> -> memref<128x128xf32, #tpu.memory_space<vmem>>
      %dma_wait3A_81 = arith.constant 384 : i32
      %dma_wait3A_82 = tpu.memref_slice %arg5[%dma_wait3A_81] : memref<512xi32, #tpu.memory_space<vmem>> -> memref<128xi32, #tpu.memory_space<vmem>>
      %dma_wait3A_83 = arith.constant 0 : i32
      %dma_wait3A_84 = arith.constant 0 : i32
      %dma_wait3A_85 = tpu.memref_slice %arg2[%dma_wait3A_83, %dma_wait3A_84] : memref<50000x128xf32, #tpu.memory_space<hbm>> -> memref<50000x128xf32, #tpu.memory_space<hbm>>
      tpu.wait_indirect_dma semaphore(%arg7 : memref<!tpu.dma_semaphore, #tpu.memory_space<semaphore_mem>>) src(%dma_wait3A_85 : memref<50000x128xf32, #tpu.memory_space<hbm>>) dst(%dma_wait3A_80 : memref<128x128xf32, #tpu.memory_space<vmem>>)
      "tpu.region"() ({
        %run_scoped3A = tpu.sem_alloc : memref<!tpu.dma_semaphore, #tpu.memory_space<semaphore_mem>>
        %dma_start3A_86 = arith.constant 0 : i32
        %dma_start3A_87 = tpu.memref_slice %arg4[%add3A_23, %dma_start3A_86] : memref<450560x128xf32, #tpu.memory_space<hbm>> -> memref<512x128xf32, #tpu.memory_space<hbm>>
        %dma_start3A_88 = arith.constant 0 : i32
        %dma_start3A_89 = tpu.memref_slice %arg4[%add3A_23, %dma_start3A_88] : memref<450560x128xf32, #tpu.memory_space<hbm>> -> memref<512x128xf32, #tpu.memory_space<hbm>>
        tpu.enqueue_dma source(%arg6 : memref<512x128xf32, #tpu.memory_space<vmem>>) target(%dma_start3A_89 : memref<512x128xf32, #tpu.memory_space<hbm>>) target_semaphore(%run_scoped3A : memref<!tpu.dma_semaphore, #tpu.memory_space<semaphore_mem>>)
        %dma_wait3A_90 = arith.constant 0 : i32
        %dma_wait3A_91 = tpu.memref_slice %arg4[%add3A_23, %dma_wait3A_90] : memref<450560x128xf32, #tpu.memory_space<hbm>> -> memref<512x128xf32, #tpu.memory_space<hbm>>
        %dma_wait3A_92 = arith.constant 0 : i32
        %dma_wait3A_93 = tpu.memref_slice %arg4[%add3A_23, %dma_wait3A_92] : memref<450560x128xf32, #tpu.memory_space<hbm>> -> memref<512x128xf32, #tpu.memory_space<hbm>>
        tpu.wait_dma2 semaphore(%run_scoped3A : memref<!tpu.dma_semaphore, #tpu.memory_space<semaphore_mem>>) src(%arg6 : memref<512x128xf32, #tpu.memory_space<vmem>>) dst(%dma_wait3A_93 : memref<512x128xf32, #tpu.memory_space<hbm>>)
        tpu.yield
      }) : () -> ()
    }
    return
  }
}

#map = affine_map<(d0, d1) -> (0, 0)>
#map1 = affine_map<(d0, d1) -> (0)>
module attributes {stable_mosaic.version = 14 : i64} {
  func.func @gk(%arg0: i32, %arg1: i32, %arg2: memref<50000x128xf32, #tpu.memory_space<hbm>>, %arg3: memref<450560xi32, #tpu.memory_space<hbm>>, %arg4: memref<450560x128xf32, #tpu.memory_space<hbm>>, %arg5: memref<512xi32, #tpu.memory_space<vmem>>, %arg6: memref<512x128xf32, #tpu.memory_space<vmem>>, %arg7: memref<!tpu.dma_semaphore, #tpu.memory_space<semaphore_mem>>) attributes {dimension_semantics = [#tpu.dimension_semantics<core_parallel>, #tpu.dimension_semantics<subcore_parallel>], iteration_bounds = array<i64: 2, 16>, scalar_prefetch = 0 : i64, scratch_operands = 3 : i64, tpu.core_type = #tpu.core_type<sc_vector_subcore>, window_params = [{transform_indices = #map}, {transform_indices = #map1}, {transform_indices = #map}]} {
    %eq3A = arith.constant 0 : i32
    %eq3A_0 = arith.cmpi eq, %arg0, %eq3A : i32
    %mul3A = arith.constant 13 : i32
    %mul3A_1 = arith.muli %arg1, %mul3A : i32
    %mul3A_2 = arith.constant 42 : i32
    %mul3A_3 = arith.muli %arg1, %mul3A_2 : i32
    %add3A = arith.constant 208 : i32
    %add3A_4 = arith.addi %add3A, %mul3A_3 : i32
    %select_n3A = arith.select %eq3A_0, %mul3A_1, %add3A_4 : i32
    %mul3A_5 = arith.constant 512 : i32
    %mul3A_6 = arith.muli %select_n3A, %mul3A_5 : i32
    %eq3A_7 = arith.constant 0 : i32
    %eq3A_8 = arith.cmpi eq, %arg0, %eq3A_7 : i32
    %jit3A = arith.constant 13 : i32
    %jit3A_9 = arith.constant 42 : i32
    %select_n3A_10 = arith.select %eq3A_8, %jit3A, %jit3A_9 : i32
    %while3A = arith.constant 0 : i32
    %while3A_11 = arith.constant 0 : i32
    %while3A_12 = arith.subi %select_n3A_10, %while3A_11 : i32
    %while3A_13 = arith.addi %while3A_11, %while3A_12 : i32
    %while3A_14 = arith.constant 1 : i32
    %while3A_15 = arith.divsi %while3A_12, %while3A_14 : i32
    %while3A_16 = arith.muli %while3A_15, %while3A_14 : i32
    %while3A_17 = arith.addi %while3A_11, %while3A_16 : i32
    %while3A_18 = arith.constant 1 : i32
    scf.for %while3A_20 = %while3A_11 to %while3A_17 step %while3A_18  : i32 {
      %mul3A_21 = arith.constant 512 : i32
      %mul3A_22 = arith.muli %while3A_20, %mul3A_21 : i32
      %add3A_23 = arith.addi %mul3A_6, %mul3A_22 : i32
      "tpu.region"() ({
        %run_scoped3A = tpu.sem_alloc : memref<!tpu.dma_semaphore, #tpu.memory_space<semaphore_mem>>
        %dma_start3A_86 = tpu.memref_slice %arg3[%add3A_23] : memref<450560xi32, #tpu.memory_space<hbm>> -> memref<512xi32, #tpu.memory_space<hbm>>
        %dma_start3A_87 = tpu.memref_slice %arg3[%add3A_23] : memref<450560xi32, #tpu.memory_space<hbm>> -> memref<512xi32, #tpu.memory_space<hbm>>
        tpu.enqueue_dma source(%dma_start3A_87 : memref<512xi32, #tpu.memory_space<hbm>>) target(%arg5 : memref<512xi32, #tpu.memory_space<vmem>>) target_semaphore(%run_scoped3A : memref<!tpu.dma_semaphore, #tpu.memory_space<semaphore_mem>>)
        %dma_wait3A_88 = tpu.memref_slice %arg3[%add3A_23] : memref<450560xi32, #tpu.memory_space<hbm>> -> memref<512xi32, #tpu.memory_space<hbm>>
        %dma_wait3A_89 = tpu.memref_slice %arg3[%add3A_23] : memref<450560xi32, #tpu.memory_space<hbm>> -> memref<512xi32, #tpu.memory_space<hbm>>
        tpu.wait_dma2 semaphore(%run_scoped3A : memref<!tpu.dma_semaphore, #tpu.memory_space<semaphore_mem>>) src(%dma_wait3A_89 : memref<512xi32, #tpu.memory_space<hbm>>) dst(%arg5 : memref<512xi32, #tpu.memory_space<vmem>>)
        tpu.yield
      }) : () -> ()
      %dma_start3A = arith.constant 0 : i32
      %dma_start3A_24 = arith.constant 0 : i32
      %dma_start3A_25 = tpu.memref_slice %arg6[%dma_start3A, %dma_start3A_24] : memref<512x128xf32, #tpu.memory_space<vmem>> -> memref<128x128xf32, #tpu.memory_space<vmem>>
      %dma_start3A_26 = arith.constant 0 : i32
      %dma_start3A_27 = tpu.memref_slice %arg5[%dma_start3A_26] : memref<512xi32, #tpu.memory_space<vmem>> -> memref<128xi32, #tpu.memory_space<vmem>>
      %dma_start3A_28 = arith.constant 0 : i32
      %dma_start3A_29 = arith.constant 0 : i32
      %dma_start3A_30 = tpu.memref_slice %arg2[%dma_start3A_28, %dma_start3A_29] : memref<50000x128xf32, #tpu.memory_space<hbm>> -> memref<50000x128xf32, #tpu.memory_space<hbm>>
      tpu.enqueue_indirect_dma source(%dma_start3A_30 : memref<50000x128xf32, #tpu.memory_space<hbm>>) target(%dma_start3A_25 : memref<128x128xf32, #tpu.memory_space<vmem>>) offsets(%dma_start3A_27 : memref<128xi32, #tpu.memory_space<vmem>>) semaphore(%arg7 : memref<!tpu.dma_semaphore, #tpu.memory_space<semaphore_mem>>)
      %dma_start3A_31 = arith.constant 128 : i32
      %dma_start3A_32 = arith.constant 0 : i32
      %dma_start3A_33 = tpu.memref_slice %arg6[%dma_start3A_31, %dma_start3A_32] : memref<512x128xf32, #tpu.memory_space<vmem>> -> memref<128x128xf32, #tpu.memory_space<vmem>>
      %dma_start3A_34 = arith.constant 128 : i32
      %dma_start3A_35 = tpu.memref_slice %arg5[%dma_start3A_34] : memref<512xi32, #tpu.memory_space<vmem>> -> memref<128xi32, #tpu.memory_space<vmem>>
      %dma_start3A_36 = arith.constant 0 : i32
      %dma_start3A_37 = arith.constant 0 : i32
      %dma_start3A_38 = tpu.memref_slice %arg2[%dma_start3A_36, %dma_start3A_37] : memref<50000x128xf32, #tpu.memory_space<hbm>> -> memref<50000x128xf32, #tpu.memory_space<hbm>>
      tpu.enqueue_indirect_dma source(%dma_start3A_38 : memref<50000x128xf32, #tpu.memory_space<hbm>>) target(%dma_start3A_33 : memref<128x128xf32, #tpu.memory_space<vmem>>) offsets(%dma_start3A_35 : memref<128xi32, #tpu.memory_space<vmem>>) semaphore(%arg7 : memref<!tpu.dma_semaphore, #tpu.memory_space<semaphore_mem>>)
      %dma_start3A_39 = arith.constant 256 : i32
      %dma_start3A_40 = arith.constant 0 : i32
      %dma_start3A_41 = tpu.memref_slice %arg6[%dma_start3A_39, %dma_start3A_40] : memref<512x128xf32, #tpu.memory_space<vmem>> -> memref<128x128xf32, #tpu.memory_space<vmem>>
      %dma_start3A_42 = arith.constant 256 : i32
      %dma_start3A_43 = tpu.memref_slice %arg5[%dma_start3A_42] : memref<512xi32, #tpu.memory_space<vmem>> -> memref<128xi32, #tpu.memory_space<vmem>>
      %dma_start3A_44 = arith.constant 0 : i32
      %dma_start3A_45 = arith.constant 0 : i32
      %dma_start3A_46 = tpu.memref_slice %arg2[%dma_start3A_44, %dma_start3A_45] : memref<50000x128xf32, #tpu.memory_space<hbm>> -> memref<50000x128xf32, #tpu.memory_space<hbm>>
      tpu.enqueue_indirect_dma source(%dma_start3A_46 : memref<50000x128xf32, #tpu.memory_space<hbm>>) target(%dma_start3A_41 : memref<128x128xf32, #tpu.memory_space<vmem>>) offsets(%dma_start3A_43 : memref<128xi32, #tpu.memory_space<vmem>>) semaphore(%arg7 : memref<!tpu.dma_semaphore, #tpu.memory_space<semaphore_mem>>)
      %dma_start3A_47 = arith.constant 384 : i32
      %dma_start3A_48 = arith.constant 0 : i32
      %dma_start3A_49 = tpu.memref_slice %arg6[%dma_start3A_47, %dma_start3A_48] : memref<512x128xf32, #tpu.memory_space<vmem>> -> memref<128x128xf32, #tpu.memory_space<vmem>>
      %dma_start3A_50 = arith.constant 384 : i32
      %dma_start3A_51 = tpu.memref_slice %arg5[%dma_start3A_50] : memref<512xi32, #tpu.memory_space<vmem>> -> memref<128xi32, #tpu.memory_space<vmem>>
      %dma_start3A_52 = arith.constant 0 : i32
      %dma_start3A_53 = arith.constant 0 : i32
      %dma_start3A_54 = tpu.memref_slice %arg2[%dma_start3A_52, %dma_start3A_53] : memref<50000x128xf32, #tpu.memory_space<hbm>> -> memref<50000x128xf32, #tpu.memory_space<hbm>>
      tpu.enqueue_indirect_dma source(%dma_start3A_54 : memref<50000x128xf32, #tpu.memory_space<hbm>>) target(%dma_start3A_49 : memref<128x128xf32, #tpu.memory_space<vmem>>) offsets(%dma_start3A_51 : memref<128xi32, #tpu.memory_space<vmem>>) semaphore(%arg7 : memref<!tpu.dma_semaphore, #tpu.memory_space<semaphore_mem>>)
      %dma_wait3A = arith.constant 0 : i32
      %dma_wait3A_55 = arith.constant 0 : i32
      %dma_wait3A_56 = tpu.memref_slice %arg6[%dma_wait3A, %dma_wait3A_55] : memref<512x128xf32, #tpu.memory_space<vmem>> -> memref<128x128xf32, #tpu.memory_space<vmem>>
      %dma_wait3A_57 = arith.constant 0 : i32
      %dma_wait3A_58 = tpu.memref_slice %arg5[%dma_wait3A_57] : memref<512xi32, #tpu.memory_space<vmem>> -> memref<128xi32, #tpu.memory_space<vmem>>
      %dma_wait3A_59 = arith.constant 0 : i32
      %dma_wait3A_60 = arith.constant 0 : i32
      %dma_wait3A_61 = tpu.memref_slice %arg2[%dma_wait3A_59, %dma_wait3A_60] : memref<50000x128xf32, #tpu.memory_space<hbm>> -> memref<50000x128xf32, #tpu.memory_space<hbm>>
      tpu.wait_indirect_dma semaphore(%arg7 : memref<!tpu.dma_semaphore, #tpu.memory_space<semaphore_mem>>) src(%dma_wait3A_61 : memref<50000x128xf32, #tpu.memory_space<hbm>>) dst(%dma_wait3A_56 : memref<128x128xf32, #tpu.memory_space<vmem>>)
      %dma_wait3A_62 = arith.constant 128 : i32
      %dma_wait3A_63 = arith.constant 0 : i32
      %dma_wait3A_64 = tpu.memref_slice %arg6[%dma_wait3A_62, %dma_wait3A_63] : memref<512x128xf32, #tpu.memory_space<vmem>> -> memref<128x128xf32, #tpu.memory_space<vmem>>
      %dma_wait3A_65 = arith.constant 128 : i32
      %dma_wait3A_66 = tpu.memref_slice %arg5[%dma_wait3A_65] : memref<512xi32, #tpu.memory_space<vmem>> -> memref<128xi32, #tpu.memory_space<vmem>>
      %dma_wait3A_67 = arith.constant 0 : i32
      %dma_wait3A_68 = arith.constant 0 : i32
      %dma_wait3A_69 = tpu.memref_slice %arg2[%dma_wait3A_67, %dma_wait3A_68] : memref<50000x128xf32, #tpu.memory_space<hbm>> -> memref<50000x128xf32, #tpu.memory_space<hbm>>
      tpu.wait_indirect_dma semaphore(%arg7 : memref<!tpu.dma_semaphore, #tpu.memory_space<semaphore_mem>>) src(%dma_wait3A_69 : memref<50000x128xf32, #tpu.memory_space<hbm>>) dst(%dma_wait3A_64 : memref<128x128xf32, #tpu.memory_space<vmem>>)
      %dma_wait3A_70 = arith.constant 256 : i32
      %dma_wait3A_71 = arith.constant 0 : i32
      %dma_wait3A_72 = tpu.memref_slice %arg6[%dma_wait3A_70, %dma_wait3A_71] : memref<512x128xf32, #tpu.memory_space<vmem>> -> memref<128x128xf32, #tpu.memory_space<vmem>>
      %dma_wait3A_73 = arith.constant 256 : i32
      %dma_wait3A_74 = tpu.memref_slice %arg5[%dma_wait3A_73] : memref<512xi32, #tpu.memory_space<vmem>> -> memref<128xi32, #tpu.memory_space<vmem>>
      %dma_wait3A_75 = arith.constant 0 : i32
      %dma_wait3A_76 = arith.constant 0 : i32
      %dma_wait3A_77 = tpu.memref_slice %arg2[%dma_wait3A_75, %dma_wait3A_76] : memref<50000x128xf32, #tpu.memory_space<hbm>> -> memref<50000x128xf32, #tpu.memory_space<hbm>>
      tpu.wait_indirect_dma semaphore(%arg7 : memref<!tpu.dma_semaphore, #tpu.memory_space<semaphore_mem>>) src(%dma_wait3A_77 : memref<50000x128xf32, #tpu.memory_space<hbm>>) dst(%dma_wait3A_72 : memref<128x128xf32, #tpu.memory_space<vmem>>)
      %dma_wait3A_78 = arith.constant 384 : i32
      %dma_wait3A_79 = arith.constant 0 : i32
      %dma_wait3A_80 = tpu.memref_slice %arg6[%dma_wait3A_78, %dma_wait3A_79] : memref<512x128xf32, #tpu.memory_space<vmem>> -> memref<128x128xf32, #tpu.memory_space<vmem>>
      %dma_wait3A_81 = arith.constant 384 : i32
      %dma_wait3A_82 = tpu.memref_slice %arg5[%dma_wait3A_81] : memref<512xi32, #tpu.memory_space<vmem>> -> memref<128xi32, #tpu.memory_space<vmem>>
      %dma_wait3A_83 = arith.constant 0 : i32
      %dma_wait3A_84 = arith.constant 0 : i32
      %dma_wait3A_85 = tpu.memref_slice %arg2[%dma_wait3A_83, %dma_wait3A_84] : memref<50000x128xf32, #tpu.memory_space<hbm>> -> memref<50000x128xf32, #tpu.memory_space<hbm>>
      tpu.wait_indirect_dma semaphore(%arg7 : memref<!tpu.dma_semaphore, #tpu.memory_space<semaphore_mem>>) src(%dma_wait3A_85 : memref<50000x128xf32, #tpu.memory_space<hbm>>) dst(%dma_wait3A_80 : memref<128x128xf32, #tpu.memory_space<vmem>>)
      "tpu.region"() ({
        %run_scoped3A = tpu.sem_alloc : memref<!tpu.dma_semaphore, #tpu.memory_space<semaphore_mem>>
        %dma_start3A_86 = arith.constant 0 : i32
        %dma_start3A_87 = tpu.memref_slice %arg4[%add3A_23, %dma_start3A_86] : memref<450560x128xf32, #tpu.memory_space<hbm>> -> memref<512x128xf32, #tpu.memory_space<hbm>>
        %dma_start3A_88 = arith.constant 0 : i32
        %dma_start3A_89 = tpu.memref_slice %arg4[%add3A_23, %dma_start3A_88] : memref<450560x128xf32, #tpu.memory_space<hbm>> -> memref<512x128xf32, #tpu.memory_space<hbm>>
        tpu.enqueue_dma source(%arg6 : memref<512x128xf32, #tpu.memory_space<vmem>>) target(%dma_start3A_89 : memref<512x128xf32, #tpu.memory_space<hbm>>) target_semaphore(%run_scoped3A : memref<!tpu.dma_semaphore, #tpu.memory_space<semaphore_mem>>)
        %dma_wait3A_90 = arith.constant 0 : i32
        %dma_wait3A_91 = tpu.memref_slice %arg4[%add3A_23, %dma_wait3A_90] : memref<450560x128xf32, #tpu.memory_space<hbm>> -> memref<512x128xf32, #tpu.memory_space<hbm>>
        %dma_wait3A_92 = arith.constant 0 : i32
        %dma_wait3A_93 = tpu.memref_slice %arg4[%add3A_23, %dma_wait3A_92] : memref<450560x128xf32, #tpu.memory_space<hbm>> -> memref<512x128xf32, #tpu.memory_space<hbm>>
        tpu.wait_dma2 semaphore(%run_scoped3A : memref<!tpu.dma_semaphore, #tpu.memory_space<semaphore_mem>>) src(%arg6 : memref<512x128xf32, #tpu.memory_space<vmem>>) dst(%dma_wait3A_93 : memref<512x128xf32, #tpu.memory_space<hbm>>)
        tpu.yield
      }) : () -> ()
    }
    %while3A_19 = arith.constant 1 : i32
    scf.for %while3A_20 = %while3A_17 to %while3A_13 step %while3A_19  : i32 {
      %mul3A_21 = arith.constant 512 : i32
      %mul3A_22 = arith.muli %while3A_20, %mul3A_21 : i32
      %add3A_23 = arith.addi %mul3A_6, %mul3A_22 : i32
      "tpu.region"() ({
        %run_scoped3A = tpu.sem_alloc : memref<!tpu.dma_semaphore, #tpu.memory_space<semaphore_mem>>
        %dma_start3A_86 = tpu.memref_slice %arg3[%add3A_23] : memref<450560xi32, #tpu.memory_space<hbm>> -> memref<512xi32, #tpu.memory_space<hbm>>
        %dma_start3A_87 = tpu.memref_slice %arg3[%add3A_23] : memref<450560xi32, #tpu.memory_space<hbm>> -> memref<512xi32, #tpu.memory_space<hbm>>
        tpu.enqueue_dma source(%dma_start3A_87 : memref<512xi32, #tpu.memory_space<hbm>>) target(%arg5 : memref<512xi32, #tpu.memory_space<vmem>>) target_semaphore(%run_scoped3A : memref<!tpu.dma_semaphore, #tpu.memory_space<semaphore_mem>>)
        %dma_wait3A_88 = tpu.memref_slice %arg3[%add3A_23] : memref<450560xi32, #tpu.memory_space<hbm>> -> memref<512xi32, #tpu.memory_space<hbm>>
        %dma_wait3A_89 = tpu.memref_slice %arg3[%add3A_23] : memref<450560xi32, #tpu.memory_space<hbm>> -> memref<512xi32, #tpu.memory_space<hbm>>
        tpu.wait_dma2 semaphore(%run_scoped3A : memref<!tpu.dma_semaphore, #tpu.memory_space<semaphore_mem>>) src(%dma_wait3A_89 : memref<512xi32, #tpu.memory_space<hbm>>) dst(%arg5 : memref<512xi32, #tpu.memory_space<vmem>>)
        tpu.yield
      }) : () -> ()
      %dma_start3A = arith.constant 0 : i32
      %dma_start3A_24 = arith.constant 0 : i32
      %dma_start3A_25 = tpu.memref_slice %arg6[%dma_start3A, %dma_start3A_24] : memref<512x128xf32, #tpu.memory_space<vmem>> -> memref<128x128xf32, #tpu.memory_space<vmem>>
      %dma_start3A_26 = arith.constant 0 : i32
      %dma_start3A_27 = tpu.memref_slice %arg5[%dma_start3A_26] : memref<512xi32, #tpu.memory_space<vmem>> -> memref<128xi32, #tpu.memory_space<vmem>>
      %dma_start3A_28 = arith.constant 0 : i32
      %dma_start3A_29 = arith.constant 0 : i32
      %dma_start3A_30 = tpu.memref_slice %arg2[%dma_start3A_28, %dma_start3A_29] : memref<50000x128xf32, #tpu.memory_space<hbm>> -> memref<50000x128xf32, #tpu.memory_space<hbm>>
      tpu.enqueue_indirect_dma source(%dma_start3A_30 : memref<50000x128xf32, #tpu.memory_space<hbm>>) target(%dma_start3A_25 : memref<128x128xf32, #tpu.memory_space<vmem>>) offsets(%dma_start3A_27 : memref<128xi32, #tpu.memory_space<vmem>>) semaphore(%arg7 : memref<!tpu.dma_semaphore, #tpu.memory_space<semaphore_mem>>)
      %dma_start3A_31 = arith.constant 128 : i32
      %dma_start3A_32 = arith.constant 0 : i32
      %dma_start3A_33 = tpu.memref_slice %arg6[%dma_start3A_31, %dma_start3A_32] : memref<512x128xf32, #tpu.memory_space<vmem>> -> memref<128x128xf32, #tpu.memory_space<vmem>>
      %dma_start3A_34 = arith.constant 128 : i32
      %dma_start3A_35 = tpu.memref_slice %arg5[%dma_start3A_34] : memref<512xi32, #tpu.memory_space<vmem>> -> memref<128xi32, #tpu.memory_space<vmem>>
      %dma_start3A_36 = arith.constant 0 : i32
      %dma_start3A_37 = arith.constant 0 : i32
      %dma_start3A_38 = tpu.memref_slice %arg2[%dma_start3A_36, %dma_start3A_37] : memref<50000x128xf32, #tpu.memory_space<hbm>> -> memref<50000x128xf32, #tpu.memory_space<hbm>>
      tpu.enqueue_indirect_dma source(%dma_start3A_38 : memref<50000x128xf32, #tpu.memory_space<hbm>>) target(%dma_start3A_33 : memref<128x128xf32, #tpu.memory_space<vmem>>) offsets(%dma_start3A_35 : memref<128xi32, #tpu.memory_space<vmem>>) semaphore(%arg7 : memref<!tpu.dma_semaphore, #tpu.memory_space<semaphore_mem>>)
      %dma_start3A_39 = arith.constant 256 : i32
      %dma_start3A_40 = arith.constant 0 : i32
      %dma_start3A_41 = tpu.memref_slice %arg6[%dma_start3A_39, %dma_start3A_40] : memref<512x128xf32, #tpu.memory_space<vmem>> -> memref<128x128xf32, #tpu.memory_space<vmem>>
      %dma_start3A_42 = arith.constant 256 : i32
      %dma_start3A_43 = tpu.memref_slice %arg5[%dma_start3A_42] : memref<512xi32, #tpu.memory_space<vmem>> -> memref<128xi32, #tpu.memory_space<vmem>>
      %dma_start3A_44 = arith.constant 0 : i32
      %dma_start3A_45 = arith.constant 0 : i32
      %dma_start3A_46 = tpu.memref_slice %arg2[%dma_start3A_44, %dma_start3A_45] : memref<50000x128xf32, #tpu.memory_space<hbm>> -> memref<50000x128xf32, #tpu.memory_space<hbm>>
      tpu.enqueue_indirect_dma source(%dma_start3A_46 : memref<50000x128xf32, #tpu.memory_space<hbm>>) target(%dma_start3A_41 : memref<128x128xf32, #tpu.memory_space<vmem>>) offsets(%dma_start3A_43 : memref<128xi32, #tpu.memory_space<vmem>>) semaphore(%arg7 : memref<!tpu.dma_semaphore, #tpu.memory_space<semaphore_mem>>)
      %dma_start3A_47 = arith.constant 384 : i32
      %dma_start3A_48 = arith.constant 0 : i32
      %dma_start3A_49 = tpu.memref_slice %arg6[%dma_start3A_47, %dma_start3A_48] : memref<512x128xf32, #tpu.memory_space<vmem>> -> memref<128x128xf32, #tpu.memory_space<vmem>>
      %dma_start3A_50 = arith.constant 384 : i32
      %dma_start3A_51 = tpu.memref_slice %arg5[%dma_start3A_50] : memref<512xi32, #tpu.memory_space<vmem>> -> memref<128xi32, #tpu.memory_space<vmem>>
      %dma_start3A_52 = arith.constant 0 : i32
      %dma_start3A_53 = arith.constant 0 : i32
      %dma_start3A_54 = tpu.memref_slice %arg2[%dma_start3A_52, %dma_start3A_53] : memref<50000x128xf32, #tpu.memory_space<hbm>> -> memref<50000x128xf32, #tpu.memory_space<hbm>>
      tpu.enqueue_indirect_dma source(%dma_start3A_54 : memref<50000x128xf32, #tpu.memory_space<hbm>>) target(%dma_start3A_49 : memref<128x128xf32, #tpu.memory_space<vmem>>) offsets(%dma_start3A_51 : memref<128xi32, #tpu.memory_space<vmem>>) semaphore(%arg7 : memref<!tpu.dma_semaphore, #tpu.memory_space<semaphore_mem>>)
      %dma_wait3A = arith.constant 0 : i32
      %dma_wait3A_55 = arith.constant 0 : i32
      %dma_wait3A_56 = tpu.memref_slice %arg6[%dma_wait3A, %dma_wait3A_55] : memref<512x128xf32, #tpu.memory_space<vmem>> -> memref<128x128xf32, #tpu.memory_space<vmem>>
      %dma_wait3A_57 = arith.constant 0 : i32
      %dma_wait3A_58 = tpu.memref_slice %arg5[%dma_wait3A_57] : memref<512xi32, #tpu.memory_space<vmem>> -> memref<128xi32, #tpu.memory_space<vmem>>
      %dma_wait3A_59 = arith.constant 0 : i32
      %dma_wait3A_60 = arith.constant 0 : i32
      %dma_wait3A_61 = tpu.memref_slice %arg2[%dma_wait3A_59, %dma_wait3A_60] : memref<50000x128xf32, #tpu.memory_space<hbm>> -> memref<50000x128xf32, #tpu.memory_space<hbm>>
      tpu.wait_indirect_dma semaphore(%arg7 : memref<!tpu.dma_semaphore, #tpu.memory_space<semaphore_mem>>) src(%dma_wait3A_61 : memref<50000x128xf32, #tpu.memory_space<hbm>>) dst(%dma_wait3A_56 : memref<128x128xf32, #tpu.memory_space<vmem>>)
      %dma_wait3A_62 = arith.constant 128 : i32
      %dma_wait3A_63 = arith.constant 0 : i32
      %dma_wait3A_64 = tpu.memref_slice %arg6[%dma_wait3A_62, %dma_wait3A_63] : memref<512x128xf32, #tpu.memory_space<vmem>> -> memref<128x128xf32, #tpu.memory_space<vmem>>
      %dma_wait3A_65 = arith.constant 128 : i32
      %dma_wait3A_66 = tpu.memref_slice %arg5[%dma_wait3A_65] : memref<512xi32, #tpu.memory_space<vmem>> -> memref<128xi32, #tpu.memory_space<vmem>>
      %dma_wait3A_67 = arith.constant 0 : i32
      %dma_wait3A_68 = arith.constant 0 : i32
      %dma_wait3A_69 = tpu.memref_slice %arg2[%dma_wait3A_67, %dma_wait3A_68] : memref<50000x128xf32, #tpu.memory_space<hbm>> -> memref<50000x128xf32, #tpu.memory_space<hbm>>
      tpu.wait_indirect_dma semaphore(%arg7 : memref<!tpu.dma_semaphore, #tpu.memory_space<semaphore_mem>>) src(%dma_wait3A_69 : memref<50000x128xf32, #tpu.memory_space<hbm>>) dst(%dma_wait3A_64 : memref<128x128xf32, #tpu.memory_space<vmem>>)
      %dma_wait3A_70 = arith.constant 256 : i32
      %dma_wait3A_71 = arith.constant 0 : i32
      %dma_wait3A_72 = tpu.memref_slice %arg6[%dma_wait3A_70, %dma_wait3A_71] : memref<512x128xf32, #tpu.memory_space<vmem>> -> memref<128x128xf32, #tpu.memory_space<vmem>>
      %dma_wait3A_73 = arith.constant 256 : i32
      %dma_wait3A_74 = tpu.memref_slice %arg5[%dma_wait3A_73] : memref<512xi32, #tpu.memory_space<vmem>> -> memref<128xi32, #tpu.memory_space<vmem>>
      %dma_wait3A_75 = arith.constant 0 : i32
      %dma_wait3A_76 = arith.constant 0 : i32
      %dma_wait3A_77 = tpu.memref_slice %arg2[%dma_wait3A_75, %dma_wait3A_76] : memref<50000x128xf32, #tpu.memory_space<hbm>> -> memref<50000x128xf32, #tpu.memory_space<hbm>>
      tpu.wait_indirect_dma semaphore(%arg7 : memref<!tpu.dma_semaphore, #tpu.memory_space<semaphore_mem>>) src(%dma_wait3A_77 : memref<50000x128xf32, #tpu.memory_space<hbm>>) dst(%dma_wait3A_72 : memref<128x128xf32, #tpu.memory_space<vmem>>)
      %dma_wait3A_78 = arith.constant 384 : i32
      %dma_wait3A_79 = arith.constant 0 : i32
      %dma_wait3A_80 = tpu.memref_slice %arg6[%dma_wait3A_78, %dma_wait3A_79] : memref<512x128xf32, #tpu.memory_space<vmem>> -> memref<128x128xf32, #tpu.memory_space<vmem>>
      %dma_wait3A_81 = arith.constant 384 : i32
      %dma_wait3A_82 = tpu.memref_slice %arg5[%dma_wait3A_81] : memref<512xi32, #tpu.memory_space<vmem>> -> memref<128xi32, #tpu.memory_space<vmem>>
      %dma_wait3A_83 = arith.constant 0 : i32
      %dma_wait3A_84 = arith.constant 0 : i32
      %dma_wait3A_85 = tpu.memref_slice %arg2[%dma_wait3A_83, %dma_wait3A_84] : memref<50000x128xf32, #tpu.memory_space<hbm>> -> memref<50000x128xf32, #tpu.memory_space<hbm>>
      tpu.wait_indirect_dma semaphore(%arg7 : memref<!tpu.dma_semaphore, #tpu.memory_space<semaphore_mem>>) src(%dma_wait3A_85 : memref<50000x128xf32, #tpu.memory_space<hbm>>) dst(%dma_wait3A_80 : memref<128x128xf32, #tpu.memory_space<vmem>>)
      "tpu.region"() ({
        %run_scoped3A = tpu.sem_alloc : memref<!tpu.dma_semaphore, #tpu.memory_space<semaphore_mem>>
        %dma_start3A_86 = arith.constant 0 : i32
        %dma_start3A_87 = tpu.memref_slice %arg4[%add3A_23, %dma_start3A_86] : memref<450560x128xf32, #tpu.memory_space<hbm>> -> memref<512x128xf32, #tpu.memory_space<hbm>>
        %dma_start3A_88 = arith.constant 0 : i32
        %dma_start3A_89 = tpu.memref_slice %arg4[%add3A_23, %dma_start3A_88] : memref<450560x128xf32, #tpu.memory_space<hbm>> -> memref<512x128xf32, #tpu.memory_space<hbm>>
        tpu.enqueue_dma source(%arg6 : memref<512x128xf32, #tpu.memory_space<vmem>>) target(%dma_start3A_89 : memref<512x128xf32, #tpu.memory_space<hbm>>) target_semaphore(%run_scoped3A : memref<!tpu.dma_semaphore, #tpu.memory_space<semaphore_mem>>)
        %dma_wait3A_90 = arith.constant 0 : i32
        %dma_wait3A_91 = tpu.memref_slice %arg4[%add3A_23, %dma_wait3A_90] : memref<450560x128xf32, #tpu.memory_space<hbm>> -> memref<512x128xf32, #tpu.memory_space<hbm>>
        %dma_wait3A_92 = arith.constant 0 : i32
        %dma_wait3A_93 = tpu.memref_slice %arg4[%add3A_23, %dma_wait3A_92] : memref<450560x128xf32, #tpu.memory_space<hbm>> -> memref<512x128xf32, #tpu.memory_space<hbm>>
        tpu.wait_dma2 semaphore(%run_scoped3A : memref<!tpu.dma_semaphore, #tpu.memory_space<semaphore_mem>>) src(%arg6 : memref<512x128xf32, #tpu.memory_space<vmem>>) dst(%dma_wait3A_93 : memref<512x128xf32, #tpu.memory_space<hbm>>)
        tpu.yield
      }) : () -> ()
    }
    return
  }
}

#map = affine_map<(d0, d1) -> (0, 0)>
#map1 = affine_map<(d0, d1) -> (0)>
module attributes {stable_mosaic.version = 14 : i64} {
  func.func @gk(%arg0: i32, %arg1: i32, %arg2: memref<50000x128xf32, #tpu.memory_space<hbm>>, %arg3: memref<450560xi32, #tpu.memory_space<hbm>>, %arg4: memref<450560x128xf32, #tpu.memory_space<hbm>>, %arg5: memref<512xi32, #tpu.memory_space<vmem>>, %arg6: memref<512x128xf32, #tpu.memory_space<vmem>>, %arg7: memref<!tpu.dma_semaphore, #tpu.memory_space<semaphore_mem>>) attributes {dimension_semantics = [#tpu.dimension_semantics<core_parallel>, #tpu.dimension_semantics<subcore_parallel>], iteration_bounds = array<i64: 2, 16>, scalar_prefetch = 0 : i64, scratch_operands = 3 : i64, tpu.core_type = #tpu.core_type<sc_vector_subcore>, window_params = [{transform_indices = #map}, {transform_indices = #map1}, {transform_indices = #map}]} {
    %eq3A = arith.constant 0 : i32
    %eq3A_0 = arith.cmpi eq, %arg0, %eq3A : i32
    %mul3A = arith.constant 13 : i32
    %mul3A_1 = arith.muli %arg1, %mul3A : i32
    %mul3A_2 = arith.constant 42 : i32
    %mul3A_3 = arith.muli %arg1, %mul3A_2 : i32
    %add3A = arith.constant 208 : i32
    %add3A_4 = arith.addi %add3A, %mul3A_3 : i32
    %select_n3A = arith.select %eq3A_0, %mul3A_1, %add3A_4 : i32
    %mul3A_5 = arith.constant 512 : i32
    %mul3A_6 = arith.muli %select_n3A, %mul3A_5 : i32
    %eq3A_7 = arith.constant 0 : i32
    %eq3A_8 = arith.cmpi eq, %arg0, %eq3A_7 : i32
    %jit3A = arith.constant 13 : i32
    %jit3A_9 = arith.constant 42 : i32
    %select_n3A_10 = arith.select %eq3A_8, %jit3A, %jit3A_9 : i32
    %while3A = arith.constant 0 : i32
    %while3A_11 = arith.constant 0 : i32
    %while3A_12 = arith.subi %select_n3A_10, %while3A_11 : i32
    %while3A_13 = arith.addi %while3A_11, %while3A_12 : i32
    %while3A_14 = arith.constant 1 : i32
    %while3A_15 = arith.divsi %while3A_12, %while3A_14 : i32
    %while3A_16 = arith.muli %while3A_15, %while3A_14 : i32
    %while3A_17 = arith.addi %while3A_11, %while3A_16 : i32
    %while3A_18 = arith.constant 1 : i32
    scf.for %while3A_20 = %while3A_11 to %while3A_17 step %while3A_18  : i32 {
      %mul3A_21 = arith.constant 512 : i32
      %mul3A_22 = arith.muli %while3A_20, %mul3A_21 : i32
      %add3A_23 = arith.addi %mul3A_6, %mul3A_22 : i32
      "tpu.region"() ({
        %run_scoped3A = tpu.sem_alloc : memref<!tpu.dma_semaphore, #tpu.memory_space<semaphore_mem>>
        %dma_start3A_86 = tpu.memref_slice %arg3[%add3A_23] : memref<450560xi32, #tpu.memory_space<hbm>> -> memref<512xi32, #tpu.memory_space<hbm>>
        %dma_start3A_87 = tpu.memref_slice %arg3[%add3A_23] : memref<450560xi32, #tpu.memory_space<hbm>> -> memref<512xi32, #tpu.memory_space<hbm>>
        tpu.enqueue_dma source(%dma_start3A_87 : memref<512xi32, #tpu.memory_space<hbm>>) target(%arg5 : memref<512xi32, #tpu.memory_space<vmem>>) target_semaphore(%run_scoped3A : memref<!tpu.dma_semaphore, #tpu.memory_space<semaphore_mem>>)
        %dma_wait3A_88 = tpu.memref_slice %arg3[%add3A_23] : memref<450560xi32, #tpu.memory_space<hbm>> -> memref<512xi32, #tpu.memory_space<hbm>>
        %dma_wait3A_89 = tpu.memref_slice %arg3[%add3A_23] : memref<450560xi32, #tpu.memory_space<hbm>> -> memref<512xi32, #tpu.memory_space<hbm>>
        tpu.wait_dma2 semaphore(%run_scoped3A : memref<!tpu.dma_semaphore, #tpu.memory_space<semaphore_mem>>) src(%dma_wait3A_89 : memref<512xi32, #tpu.memory_space<hbm>>) dst(%arg5 : memref<512xi32, #tpu.memory_space<vmem>>)
        tpu.yield
      }) : () -> ()
      %dma_start3A = arith.constant 0 : i32
      %dma_start3A_24 = arith.constant 0 : i32
      %dma_start3A_25 = tpu.memref_slice %arg6[%dma_start3A, %dma_start3A_24] : memref<512x128xf32, #tpu.memory_space<vmem>> -> memref<128x128xf32, #tpu.memory_space<vmem>>
      %dma_start3A_26 = arith.constant 0 : i32
      %dma_start3A_27 = tpu.memref_slice %arg5[%dma_start3A_26] : memref<512xi32, #tpu.memory_space<vmem>> -> memref<128xi32, #tpu.memory_space<vmem>>
      %dma_start3A_28 = arith.constant 0 : i32
      %dma_start3A_29 = arith.constant 0 : i32
      %dma_start3A_30 = tpu.memref_slice %arg2[%dma_start3A_28, %dma_start3A_29] : memref<50000x128xf32, #tpu.memory_space<hbm>> -> memref<50000x128xf32, #tpu.memory_space<hbm>>
      tpu.enqueue_indirect_dma source(%dma_start3A_30 : memref<50000x128xf32, #tpu.memory_space<hbm>>) target(%dma_start3A_25 : memref<128x128xf32, #tpu.memory_space<vmem>>) offsets(%dma_start3A_27 : memref<128xi32, #tpu.memory_space<vmem>>) semaphore(%arg7 : memref<!tpu.dma_semaphore, #tpu.memory_space<semaphore_mem>>)
      %dma_start3A_31 = arith.constant 128 : i32
      %dma_start3A_32 = arith.constant 0 : i32
      %dma_start3A_33 = tpu.memref_slice %arg6[%dma_start3A_31, %dma_start3A_32] : memref<512x128xf32, #tpu.memory_space<vmem>> -> memref<128x128xf32, #tpu.memory_space<vmem>>
      %dma_start3A_34 = arith.constant 128 : i32
      %dma_start3A_35 = tpu.memref_slice %arg5[%dma_start3A_34] : memref<512xi32, #tpu.memory_space<vmem>> -> memref<128xi32, #tpu.memory_space<vmem>>
      %dma_start3A_36 = arith.constant 0 : i32
      %dma_start3A_37 = arith.constant 0 : i32
      %dma_start3A_38 = tpu.memref_slice %arg2[%dma_start3A_36, %dma_start3A_37] : memref<50000x128xf32, #tpu.memory_space<hbm>> -> memref<50000x128xf32, #tpu.memory_space<hbm>>
      tpu.enqueue_indirect_dma source(%dma_start3A_38 : memref<50000x128xf32, #tpu.memory_space<hbm>>) target(%dma_start3A_33 : memref<128x128xf32, #tpu.memory_space<vmem>>) offsets(%dma_start3A_35 : memref<128xi32, #tpu.memory_space<vmem>>) semaphore(%arg7 : memref<!tpu.dma_semaphore, #tpu.memory_space<semaphore_mem>>)
      %dma_start3A_39 = arith.constant 256 : i32
      %dma_start3A_40 = arith.constant 0 : i32
      %dma_start3A_41 = tpu.memref_slice %arg6[%dma_start3A_39, %dma_start3A_40] : memref<512x128xf32, #tpu.memory_space<vmem>> -> memref<128x128xf32, #tpu.memory_space<vmem>>
      %dma_start3A_42 = arith.constant 256 : i32
      %dma_start3A_43 = tpu.memref_slice %arg5[%dma_start3A_42] : memref<512xi32, #tpu.memory_space<vmem>> -> memref<128xi32, #tpu.memory_space<vmem>>
      %dma_start3A_44 = arith.constant 0 : i32
      %dma_start3A_45 = arith.constant 0 : i32
      %dma_start3A_46 = tpu.memref_slice %arg2[%dma_start3A_44, %dma_start3A_45] : memref<50000x128xf32, #tpu.memory_space<hbm>> -> memref<50000x128xf32, #tpu.memory_space<hbm>>
      tpu.enqueue_indirect_dma source(%dma_start3A_46 : memref<50000x128xf32, #tpu.memory_space<hbm>>) target(%dma_start3A_41 : memref<128x128xf32, #tpu.memory_space<vmem>>) offsets(%dma_start3A_43 : memref<128xi32, #tpu.memory_space<vmem>>) semaphore(%arg7 : memref<!tpu.dma_semaphore, #tpu.memory_space<semaphore_mem>>)
      %dma_start3A_47 = arith.constant 384 : i32
      %dma_start3A_48 = arith.constant 0 : i32
      %dma_start3A_49 = tpu.memref_slice %arg6[%dma_start3A_47, %dma_start3A_48] : memref<512x128xf32, #tpu.memory_space<vmem>> -> memref<128x128xf32, #tpu.memory_space<vmem>>
      %dma_start3A_50 = arith.constant 384 : i32
      %dma_start3A_51 = tpu.memref_slice %arg5[%dma_start3A_50] : memref<512xi32, #tpu.memory_space<vmem>> -> memref<128xi32, #tpu.memory_space<vmem>>
      %dma_start3A_52 = arith.constant 0 : i32
      %dma_start3A_53 = arith.constant 0 : i32
      %dma_start3A_54 = tpu.memref_slice %arg2[%dma_start3A_52, %dma_start3A_53] : memref<50000x128xf32, #tpu.memory_space<hbm>> -> memref<50000x128xf32, #tpu.memory_space<hbm>>
      tpu.enqueue_indirect_dma source(%dma_start3A_54 : memref<50000x128xf32, #tpu.memory_space<hbm>>) target(%dma_start3A_49 : memref<128x128xf32, #tpu.memory_space<vmem>>) offsets(%dma_start3A_51 : memref<128xi32, #tpu.memory_space<vmem>>) semaphore(%arg7 : memref<!tpu.dma_semaphore, #tpu.memory_space<semaphore_mem>>)
      %dma_wait3A = arith.constant 0 : i32
      %dma_wait3A_55 = arith.constant 0 : i32
      %dma_wait3A_56 = tpu.memref_slice %arg6[%dma_wait3A, %dma_wait3A_55] : memref<512x128xf32, #tpu.memory_space<vmem>> -> memref<128x128xf32, #tpu.memory_space<vmem>>
      %dma_wait3A_57 = arith.constant 0 : i32
      %dma_wait3A_58 = tpu.memref_slice %arg5[%dma_wait3A_57] : memref<512xi32, #tpu.memory_space<vmem>> -> memref<128xi32, #tpu.memory_space<vmem>>
      %dma_wait3A_59 = arith.constant 0 : i32
      %dma_wait3A_60 = arith.constant 0 : i32
      %dma_wait3A_61 = tpu.memref_slice %arg2[%dma_wait3A_59, %dma_wait3A_60] : memref<50000x128xf32, #tpu.memory_space<hbm>> -> memref<50000x128xf32, #tpu.memory_space<hbm>>
      tpu.wait_indirect_dma semaphore(%arg7 : memref<!tpu.dma_semaphore, #tpu.memory_space<semaphore_mem>>) src(%dma_wait3A_61 : memref<50000x128xf32, #tpu.memory_space<hbm>>) dst(%dma_wait3A_56 : memref<128x128xf32, #tpu.memory_space<vmem>>)
      %dma_wait3A_62 = arith.constant 128 : i32
      %dma_wait3A_63 = arith.constant 0 : i32
      %dma_wait3A_64 = tpu.memref_slice %arg6[%dma_wait3A_62, %dma_wait3A_63] : memref<512x128xf32, #tpu.memory_space<vmem>> -> memref<128x128xf32, #tpu.memory_space<vmem>>
      %dma_wait3A_65 = arith.constant 128 : i32
      %dma_wait3A_66 = tpu.memref_slice %arg5[%dma_wait3A_65] : memref<512xi32, #tpu.memory_space<vmem>> -> memref<128xi32, #tpu.memory_space<vmem>>
      %dma_wait3A_67 = arith.constant 0 : i32
      %dma_wait3A_68 = arith.constant 0 : i32
      %dma_wait3A_69 = tpu.memref_slice %arg2[%dma_wait3A_67, %dma_wait3A_68] : memref<50000x128xf32, #tpu.memory_space<hbm>> -> memref<50000x128xf32, #tpu.memory_space<hbm>>
      tpu.wait_indirect_dma semaphore(%arg7 : memref<!tpu.dma_semaphore, #tpu.memory_space<semaphore_mem>>) src(%dma_wait3A_69 : memref<50000x128xf32, #tpu.memory_space<hbm>>) dst(%dma_wait3A_64 : memref<128x128xf32, #tpu.memory_space<vmem>>)
      %dma_wait3A_70 = arith.constant 256 : i32
      %dma_wait3A_71 = arith.constant 0 : i32
      %dma_wait3A_72 = tpu.memref_slice %arg6[%dma_wait3A_70, %dma_wait3A_71] : memref<512x128xf32, #tpu.memory_space<vmem>> -> memref<128x128xf32, #tpu.memory_space<vmem>>
      %dma_wait3A_73 = arith.constant 256 : i32
      %dma_wait3A_74 = tpu.memref_slice %arg5[%dma_wait3A_73] : memref<512xi32, #tpu.memory_space<vmem>> -> memref<128xi32, #tpu.memory_space<vmem>>
      %dma_wait3A_75 = arith.constant 0 : i32
      %dma_wait3A_76 = arith.constant 0 : i32
      %dma_wait3A_77 = tpu.memref_slice %arg2[%dma_wait3A_75, %dma_wait3A_76] : memref<50000x128xf32, #tpu.memory_space<hbm>> -> memref<50000x128xf32, #tpu.memory_space<hbm>>
      tpu.wait_indirect_dma semaphore(%arg7 : memref<!tpu.dma_semaphore, #tpu.memory_space<semaphore_mem>>) src(%dma_wait3A_77 : memref<50000x128xf32, #tpu.memory_space<hbm>>) dst(%dma_wait3A_72 : memref<128x128xf32, #tpu.memory_space<vmem>>)
      %dma_wait3A_78 = arith.constant 384 : i32
      %dma_wait3A_79 = arith.constant 0 : i32
      %dma_wait3A_80 = tpu.memref_slice %arg6[%dma_wait3A_78, %dma_wait3A_79] : memref<512x128xf32, #tpu.memory_space<vmem>> -> memref<128x128xf32, #tpu.memory_space<vmem>>
      %dma_wait3A_81 = arith.constant 384 : i32
      %dma_wait3A_82 = tpu.memref_slice %arg5[%dma_wait3A_81] : memref<512xi32, #tpu.memory_space<vmem>> -> memref<128xi32, #tpu.memory_space<vmem>>
      %dma_wait3A_83 = arith.constant 0 : i32
      %dma_wait3A_84 = arith.constant 0 : i32
      %dma_wait3A_85 = tpu.memref_slice %arg2[%dma_wait3A_83, %dma_wait3A_84] : memref<50000x128xf32, #tpu.memory_space<hbm>> -> memref<50000x128xf32, #tpu.memory_space<hbm>>
      tpu.wait_indirect_dma semaphore(%arg7 : memref<!tpu.dma_semaphore, #tpu.memory_space<semaphore_mem>>) src(%dma_wait3A_85 : memref<50000x128xf32, #tpu.memory_space<hbm>>) dst(%dma_wait3A_80 : memref<128x128xf32, #tpu.memory_space<vmem>>)
      "tpu.region"() ({
        %run_scoped3A = tpu.sem_alloc : memref<!tpu.dma_semaphore, #tpu.memory_space<semaphore_mem>>
        %dma_start3A_86 = arith.constant 0 : i32
        %dma_start3A_87 = tpu.memref_slice %arg4[%add3A_23, %dma_start3A_86] : memref<450560x128xf32, #tpu.memory_space<hbm>> -> memref<512x128xf32, #tpu.memory_space<hbm>>
        %dma_start3A_88 = arith.constant 0 : i32
        %dma_start3A_89 = tpu.memref_slice %arg4[%add3A_23, %dma_start3A_88] : memref<450560x128xf32, #tpu.memory_space<hbm>> -> memref<512x128xf32, #tpu.memory_space<hbm>>
        tpu.enqueue_dma source(%arg6 : memref<512x128xf32, #tpu.memory_space<vmem>>) target(%dma_start3A_89 : memref<512x128xf32, #tpu.memory_space<hbm>>) target_semaphore(%run_scoped3A : memref<!tpu.dma_semaphore, #tpu.memory_space<semaphore_mem>>)
        %dma_wait3A_90 = arith.constant 0 : i32
        %dma_wait3A_91 = tpu.memref_slice %arg4[%add3A_23, %dma_wait3A_90] : memref<450560x128xf32, #tpu.memory_space<hbm>> -> memref<512x128xf32, #tpu.memory_space<hbm>>
        %dma_wait3A_92 = arith.constant 0 : i32
        %dma_wait3A_93 = tpu.memref_slice %arg4[%add3A_23, %dma_wait3A_92] : memref<450560x128xf32, #tpu.memory_space<hbm>> -> memref<512x128xf32, #tpu.memory_space<hbm>>
        tpu.wait_dma2 semaphore(%run_scoped3A : memref<!tpu.dma_semaphore, #tpu.memory_space<semaphore_mem>>) src(%arg6 : memref<512x128xf32, #tpu.memory_space<vmem>>) dst(%dma_wait3A_93 : memref<512x128xf32, #tpu.memory_space<hbm>>)
        tpu.yield
      }) : () -> ()
    }
    %while3A_19 = arith.constant 1 : i32
    scf.for %while3A_20 = %while3A_17 to %while3A_13 step %while3A_19  : i32 {
      %mul3A_21 = arith.constant 512 : i32
      %mul3A_22 = arith.muli %while3A_20, %mul3A_21 : i32
      %add3A_23 = arith.addi %mul3A_6, %mul3A_22 : i32
      "tpu.region"() ({
        %run_scoped3A = tpu.sem_alloc : memref<!tpu.dma_semaphore, #tpu.memory_space<semaphore_mem>>
        %dma_start3A_86 = tpu.memref_slice %arg3[%add3A_23] : memref<450560xi32, #tpu.memory_space<hbm>> -> memref<512xi32, #tpu.memory_space<hbm>>
        %dma_start3A_87 = tpu.memref_slice %arg3[%add3A_23] : memref<450560xi32, #tpu.memory_space<hbm>> -> memref<512xi32, #tpu.memory_space<hbm>>
        tpu.enqueue_dma source(%dma_start3A_87 : memref<512xi32, #tpu.memory_space<hbm>>) target(%arg5 : memref<512xi32, #tpu.memory_space<vmem>>) target_semaphore(%run_scoped3A : memref<!tpu.dma_semaphore, #tpu.memory_space<semaphore_mem>>)
        %dma_wait3A_88 = tpu.memref_slice %arg3[%add3A_23] : memref<450560xi32, #tpu.memory_space<hbm>> -> memref<512xi32, #tpu.memory_space<hbm>>
        %dma_wait3A_89 = tpu.memref_slice %arg3[%add3A_23] : memref<450560xi32, #tpu.memory_space<hbm>> -> memref<512xi32, #tpu.memory_space<hbm>>
        tpu.wait_dma2 semaphore(%run_scoped3A : memref<!tpu.dma_semaphore, #tpu.memory_space<semaphore_mem>>) src(%dma_wait3A_89 : memref<512xi32, #tpu.memory_space<hbm>>) dst(%arg5 : memref<512xi32, #tpu.memory_space<vmem>>)
        tpu.yield
      }) : () -> ()
      %dma_start3A = arith.constant 0 : i32
      %dma_start3A_24 = arith.constant 0 : i32
      %dma_start3A_25 = tpu.memref_slice %arg6[%dma_start3A, %dma_start3A_24] : memref<512x128xf32, #tpu.memory_space<vmem>> -> memref<128x128xf32, #tpu.memory_space<vmem>>
      %dma_start3A_26 = arith.constant 0 : i32
      %dma_start3A_27 = tpu.memref_slice %arg5[%dma_start3A_26] : memref<512xi32, #tpu.memory_space<vmem>> -> memref<128xi32, #tpu.memory_space<vmem>>
      %dma_start3A_28 = arith.constant 0 : i32
      %dma_start3A_29 = arith.constant 0 : i32
      %dma_start3A_30 = tpu.memref_slice %arg2[%dma_start3A_28, %dma_start3A_29] : memref<50000x128xf32, #tpu.memory_space<hbm>> -> memref<50000x128xf32, #tpu.memory_space<hbm>>
      tpu.enqueue_indirect_dma source(%dma_start3A_30 : memref<50000x128xf32, #tpu.memory_space<hbm>>) target(%dma_start3A_25 : memref<128x128xf32, #tpu.memory_space<vmem>>) offsets(%dma_start3A_27 : memref<128xi32, #tpu.memory_space<vmem>>) semaphore(%arg7 : memref<!tpu.dma_semaphore, #tpu.memory_space<semaphore_mem>>)
      %dma_start3A_31 = arith.constant 128 : i32
      %dma_start3A_32 = arith.constant 0 : i32
      %dma_start3A_33 = tpu.memref_slice %arg6[%dma_start3A_31, %dma_start3A_32] : memref<512x128xf32, #tpu.memory_space<vmem>> -> memref<128x128xf32, #tpu.memory_space<vmem>>
      %dma_start3A_34 = arith.constant 128 : i32
      %dma_start3A_35 = tpu.memref_slice %arg5[%dma_start3A_34] : memref<512xi32, #tpu.memory_space<vmem>> -> memref<128xi32, #tpu.memory_space<vmem>>
      %dma_start3A_36 = arith.constant 0 : i32
      %dma_start3A_37 = arith.constant 0 : i32
      %dma_start3A_38 = tpu.memref_slice %arg2[%dma_start3A_36, %dma_start3A_37] : memref<50000x128xf32, #tpu.memory_space<hbm>> -> memref<50000x128xf32, #tpu.memory_space<hbm>>
      tpu.enqueue_indirect_dma source(%dma_start3A_38 : memref<50000x128xf32, #tpu.memory_space<hbm>>) target(%dma_start3A_33 : memref<128x128xf32, #tpu.memory_space<vmem>>) offsets(%dma_start3A_35 : memref<128xi32, #tpu.memory_space<vmem>>) semaphore(%arg7 : memref<!tpu.dma_semaphore, #tpu.memory_space<semaphore_mem>>)
      %dma_start3A_39 = arith.constant 256 : i32
      %dma_start3A_40 = arith.constant 0 : i32
      %dma_start3A_41 = tpu.memref_slice %arg6[%dma_start3A_39, %dma_start3A_40] : memref<512x128xf32, #tpu.memory_space<vmem>> -> memref<128x128xf32, #tpu.memory_space<vmem>>
      %dma_start3A_42 = arith.constant 256 : i32
      %dma_start3A_43 = tpu.memref_slice %arg5[%dma_start3A_42] : memref<512xi32, #tpu.memory_space<vmem>> -> memref<128xi32, #tpu.memory_space<vmem>>
      %dma_start3A_44 = arith.constant 0 : i32
      %dma_start3A_45 = arith.constant 0 : i32
      %dma_start3A_46 = tpu.memref_slice %arg2[%dma_start3A_44, %dma_start3A_45] : memref<50000x128xf32, #tpu.memory_space<hbm>> -> memref<50000x128xf32, #tpu.memory_space<hbm>>
      tpu.enqueue_indirect_dma source(%dma_start3A_46 : memref<50000x128xf32, #tpu.memory_space<hbm>>) target(%dma_start3A_41 : memref<128x128xf32, #tpu.memory_space<vmem>>) offsets(%dma_start3A_43 : memref<128xi32, #tpu.memory_space<vmem>>) semaphore(%arg7 : memref<!tpu.dma_semaphore, #tpu.memory_space<semaphore_mem>>)
      %dma_start3A_47 = arith.constant 384 : i32
      %dma_start3A_48 = arith.constant 0 : i32
      %dma_start3A_49 = tpu.memref_slice %arg6[%dma_start3A_47, %dma_start3A_48] : memref<512x128xf32, #tpu.memory_space<vmem>> -> memref<128x128xf32, #tpu.memory_space<vmem>>
      %dma_start3A_50 = arith.constant 384 : i32
      %dma_start3A_51 = tpu.memref_slice %arg5[%dma_start3A_50] : memref<512xi32, #tpu.memory_space<vmem>> -> memref<128xi32, #tpu.memory_space<vmem>>
      %dma_start3A_52 = arith.constant 0 : i32
      %dma_start3A_53 = arith.constant 0 : i32
      %dma_start3A_54 = tpu.memref_slice %arg2[%dma_start3A_52, %dma_start3A_53] : memref<50000x128xf32, #tpu.memory_space<hbm>> -> memref<50000x128xf32, #tpu.memory_space<hbm>>
      tpu.enqueue_indirect_dma source(%dma_start3A_54 : memref<50000x128xf32, #tpu.memory_space<hbm>>) target(%dma_start3A_49 : memref<128x128xf32, #tpu.memory_space<vmem>>) offsets(%dma_start3A_51 : memref<128xi32, #tpu.memory_space<vmem>>) semaphore(%arg7 : memref<!tpu.dma_semaphore, #tpu.memory_space<semaphore_mem>>)
      %dma_wait3A = arith.constant 0 : i32
      %dma_wait3A_55 = arith.constant 0 : i32
      %dma_wait3A_56 = tpu.memref_slice %arg6[%dma_wait3A, %dma_wait3A_55] : memref<512x128xf32, #tpu.memory_space<vmem>> -> memref<128x128xf32, #tpu.memory_space<vmem>>
      %dma_wait3A_57 = arith.constant 0 : i32
      %dma_wait3A_58 = tpu.memref_slice %arg5[%dma_wait3A_57] : memref<512xi32, #tpu.memory_space<vmem>> -> memref<128xi32, #tpu.memory_space<vmem>>
      %dma_wait3A_59 = arith.constant 0 : i32
      %dma_wait3A_60 = arith.constant 0 : i32
      %dma_wait3A_61 = tpu.memref_slice %arg2[%dma_wait3A_59, %dma_wait3A_60] : memref<50000x128xf32, #tpu.memory_space<hbm>> -> memref<50000x128xf32, #tpu.memory_space<hbm>>
      tpu.wait_indirect_dma semaphore(%arg7 : memref<!tpu.dma_semaphore, #tpu.memory_space<semaphore_mem>>) src(%dma_wait3A_61 : memref<50000x128xf32, #tpu.memory_space<hbm>>) dst(%dma_wait3A_56 : memref<128x128xf32, #tpu.memory_space<vmem>>)
      %dma_wait3A_62 = arith.constant 128 : i32
      %dma_wait3A_63 = arith.constant 0 : i32
      %dma_wait3A_64 = tpu.memref_slice %arg6[%dma_wait3A_62, %dma_wait3A_63] : memref<512x128xf32, #tpu.memory_space<vmem>> -> memref<128x128xf32, #tpu.memory_space<vmem>>
      %dma_wait3A_65 = arith.constant 128 : i32
      %dma_wait3A_66 = tpu.memref_slice %arg5[%dma_wait3A_65] : memref<512xi32, #tpu.memory_space<vmem>> -> memref<128xi32, #tpu.memory_space<vmem>>
      %dma_wait3A_67 = arith.constant 0 : i32
      %dma_wait3A_68 = arith.constant 0 : i32
      %dma_wait3A_69 = tpu.memref_slice %arg2[%dma_wait3A_67, %dma_wait3A_68] : memref<50000x128xf32, #tpu.memory_space<hbm>> -> memref<50000x128xf32, #tpu.memory_space<hbm>>
      tpu.wait_indirect_dma semaphore(%arg7 : memref<!tpu.dma_semaphore, #tpu.memory_space<semaphore_mem>>) src(%dma_wait3A_69 : memref<50000x128xf32, #tpu.memory_space<hbm>>) dst(%dma_wait3A_64 : memref<128x128xf32, #tpu.memory_space<vmem>>)
      %dma_wait3A_70 = arith.constant 256 : i32
      %dma_wait3A_71 = arith.constant 0 : i32
      %dma_wait3A_72 = tpu.memref_slice %arg6[%dma_wait3A_70, %dma_wait3A_71] : memref<512x128xf32, #tpu.memory_space<vmem>> -> memref<128x128xf32, #tpu.memory_space<vmem>>
      %dma_wait3A_73 = arith.constant 256 : i32
      %dma_wait3A_74 = tpu.memref_slice %arg5[%dma_wait3A_73] : memref<512xi32, #tpu.memory_space<vmem>> -> memref<128xi32, #tpu.memory_space<vmem>>
      %dma_wait3A_75 = arith.constant 0 : i32
      %dma_wait3A_76 = arith.constant 0 : i32
      %dma_wait3A_77 = tpu.memref_slice %arg2[%dma_wait3A_75, %dma_wait3A_76] : memref<50000x128xf32, #tpu.memory_space<hbm>> -> memref<50000x128xf32, #tpu.memory_space<hbm>>
      tpu.wait_indirect_dma semaphore(%arg7 : memref<!tpu.dma_semaphore, #tpu.memory_space<semaphore_mem>>) src(%dma_wait3A_77 : memref<50000x128xf32, #tpu.memory_space<hbm>>) dst(%dma_wait3A_72 : memref<128x128xf32, #tpu.memory_space<vmem>>)
      %dma_wait3A_78 = arith.constant 384 : i32
      %dma_wait3A_79 = arith.constant 0 : i32
      %dma_wait3A_80 = tpu.memref_slice %arg6[%dma_wait3A_78, %dma_wait3A_79] : memref<512x128xf32, #tpu.memory_space<vmem>> -> memref<128x128xf32, #tpu.memory_space<vmem>>
      %dma_wait3A_81 = arith.constant 384 : i32
      %dma_wait3A_82 = tpu.memref_slice %arg5[%dma_wait3A_81] : memref<512xi32, #tpu.memory_space<vmem>> -> memref<128xi32, #tpu.memory_space<vmem>>
      %dma_wait3A_83 = arith.constant 0 : i32
      %dma_wait3A_84 = arith.constant 0 : i32
      %dma_wait3A_85 = tpu.memref_slice %arg2[%dma_wait3A_83, %dma_wait3A_84] : memref<50000x128xf32, #tpu.memory_space<hbm>> -> memref<50000x128xf32, #tpu.memory_space<hbm>>
      tpu.wait_indirect_dma semaphore(%arg7 : memref<!tpu.dma_semaphore, #tpu.memory_space<semaphore_mem>>) src(%dma_wait3A_85 : memref<50000x128xf32, #tpu.memory_space<hbm>>) dst(%dma_wait3A_80 : memref<128x128xf32, #tpu.memory_space<vmem>>)
      "tpu.region"() ({
        %run_scoped3A = tpu.sem_alloc : memref<!tpu.dma_semaphore, #tpu.memory_space<semaphore_mem>>
        %dma_start3A_86 = arith.constant 0 : i32
        %dma_start3A_87 = tpu.memref_slice %arg4[%add3A_23, %dma_start3A_86] : memref<450560x128xf32, #tpu.memory_space<hbm>> -> memref<512x128xf32, #tpu.memory_space<hbm>>
        %dma_start3A_88 = arith.constant 0 : i32
        %dma_start3A_89 = tpu.memref_slice %arg4[%add3A_23, %dma_start3A_88] : memref<450560x128xf32, #tpu.memory_space<hbm>> -> memref<512x128xf32, #tpu.memory_space<hbm>>
        tpu.enqueue_dma source(%arg6 : memref<512x128xf32, #tpu.memory_space<vmem>>) target(%dma_start3A_89 : memref<512x128xf32, #tpu.memory_space<hbm>>) target_semaphore(%run_scoped3A : memref<!tpu.dma_semaphore, #tpu.memory_space<semaphore_mem>>)
        %dma_wait3A_90 = arith.constant 0 : i32
        %dma_wait3A_91 = tpu.memref_slice %arg4[%add3A_23, %dma_wait3A_90] : memref<450560x128xf32, #tpu.memory_space<hbm>> -> memref<512x128xf32, #tpu.memory_space<hbm>>
        %dma_wait3A_92 = arith.constant 0 : i32
        %dma_wait3A_93 = tpu.memref_slice %arg4[%add3A_23, %dma_wait3A_92] : memref<450560x128xf32, #tpu.memory_space<hbm>> -> memref<512x128xf32, #tpu.memory_space<hbm>>
        tpu.wait_dma2 semaphore(%run_scoped3A : memref<!tpu.dma_semaphore, #tpu.memory_space<semaphore_mem>>) src(%arg6 : memref<512x128xf32, #tpu.memory_space<vmem>>) dst(%dma_wait3A_93 : memref<512x128xf32, #tpu.memory_space<hbm>>)
        tpu.yield
      }) : () -> ()
    }
    return
  }
}

module attributes {stable_mosaic.version = 14 : i64} {
  func.func @_embed_body(%arg0: i32, %arg1: memref<1000x128xf32, #tpu.memory_space<vmem>>, %arg2: memref<128x128xf32, #tpu.memory_space<vmem>>, %arg3: memref<1x128xf32, #tpu.memory_space<vmem>>, %arg4: memref<1000x128xf32, #tpu.memory_space<vmem>>) attributes {dimension_semantics = [#tpu.dimension_semantics<arbitrary>], iteration_bounds = array<i64: 50>, scalar_prefetch = 0 : i64, scratch_operands = 0 : i64, tpu.core_type = #tpu.core_type<tc>, window_params = [{transform_indices = @transform_0, window_bounds = array<i64: 1000, 128>}, {pipeline_mode = #tpu.pipeline_mode<synchronous>, transform_indices = @transform_1, window_bounds = array<i64: 128, 128>}, {pipeline_mode = #tpu.pipeline_mode<synchronous>, transform_indices = @transform_2, window_bounds = array<i64: 1, 128>}, {transform_indices = @transform_3, window_bounds = array<i64: 1000, 128>}]} {
    %get3A = arith.constant 0 : index
    %get3A_0 = arith.constant 0 : index
    %get3A_1 = vector.load %arg1[%get3A, %get3A_0] : memref<1000x128xf32, #tpu.memory_space<vmem>>, vector<1000x128xf32>
    %get3A_2 = arith.constant 0 : index
    %get3A_3 = arith.constant 0 : index
    %get3A_4 = vector.load %arg2[%get3A_2, %get3A_3] : memref<128x128xf32, #tpu.memory_space<vmem>>, vector<128x128xf32>
    %dot_general3A = arith.constant dense<0.000000e+00> : vector<1000x128xf32>
    %dot_general3A_5 = tpu.matmul %get3A_1, %get3A_4, %dot_general3A {dimension_numbers = #tpu.dot_dimension_numbers<[1], [0], [0], [1], [0, 0, 1, 1], [], []>, transpose_lhs_hint = false} : vector<1000x128xf32>, vector<128x128xf32>, vector<1000x128xf32> -> vector<1000x128xf32>
    %get3A_6 = arith.constant 0 : index
    %get3A_7 = arith.constant 0 : index
    %get3A_8 = vector.load %arg3[%get3A_6, %get3A_7] : memref<1x128xf32, #tpu.memory_space<vmem>>, vector<1x128xf32>
    %add3A = vector.broadcast %get3A_8 : vector<1x128xf32> to vector<1000x128xf32>
    %add3A_9 = arith.addf %dot_general3A_5, %add3A : vector<1000x128xf32>
    %swap3A = arith.constant 0 : index
    %swap3A_10 = arith.constant 0 : index
    %swap3A_11 = vector.load %arg4[%swap3A, %swap3A_10] : memref<1000x128xf32, #tpu.memory_space<vmem>>, vector<1000x128xf32>
    tpu.vector_store %arg4[%swap3A, %swap3A_10], %add3A_9 {strides = array<i32>} : memref<1000x128xf32, #tpu.memory_space<vmem>>, vector<1000x128xf32>,
    return
  }
  func.func @transform_0(%arg0: i32) -> (i32, i32) {
    %c0_i32 = arith.constant 0 : i32
    %c0_i32_0 = arith.constant 0 : i32
    return %arg0, %c0_i32 : i32, i32
  }
  func.func @transform_1(%arg0: i32) -> (i32, i32) {
    %c0_i32 = arith.constant 0 : i32
    %c0_i32_0 = arith.constant 0 : i32
    %c0_i32_1 = arith.constant 0 : i32
    return %c0_i32, %c0_i32_0 : i32, i32
  }
  func.func @transform_2(%arg0: i32) -> (i32, i32) {
    %c0_i32 = arith.constant 0 : i32
    %c0_i32_0 = arith.constant 0 : i32
    %c0_i32_1 = arith.constant 0 : i32
    return %c0_i32, %c0_i32_0 : i32, i32
  }
  func.func @transform_3(%arg0: i32) -> (i32, i32) {
    %c0_i32 = arith.constant 0 : i32
    %c0_i32_0 = arith.constant 0 : i32
    return %arg0, %c0_i32 : i32, i32
  }
}

module attributes {stable_mosaic.version = 14 : i64} {
  func.func @_passA_body(%arg0: i32, %arg1: memref<50x2x128xf32, #tpu.memory_space<vmem>>, %arg2: memref<1x128xf32, #tpu.memory_space<vmem>>, %arg3: memref<1x128xf32, #tpu.memory_space<vmem>>, %arg4: memref<1000x128xf32, #tpu.memory_space<vmem>>, %arg5: memref<1000x8x128xf32, #tpu.memory_space<vmem>>, %arg6: memref<1000x128xf32, #tpu.memory_space<vmem>>, %arg7: memref<3x128x128xf32, #tpu.memory_space<vmem>>, %arg8: memref<1x128xf32, #tpu.memory_space<vmem>>, %arg9: memref<128x128xf32, #tpu.memory_space<vmem>>, %arg10: memref<1x128xf32, #tpu.memory_space<vmem>>, %arg11: memref<128x128xf32, #tpu.memory_space<vmem>>, %arg12: memref<1000x128xf32, #tpu.memory_space<vmem>>, %arg13: memref<1x2x128xf32, #tpu.memory_space<vmem>>, %arg14: memref<1x128xf32, #tpu.memory_space<vmem>>, %arg15: memref<1x128xf32, #tpu.memory_space<vmem>>) attributes {dimension_semantics = [#tpu.dimension_semantics<arbitrary>], iteration_bounds = array<i64: 50>, scalar_prefetch = 0 : i64, scratch_operands = 2 : i64, tpu.core_type = #tpu.core_type<tc>, window_params = [{pipeline_mode = #tpu.pipeline_mode<synchronous>, transform_indices = @transform_0, window_bounds = array<i64: 50, 2, 128>}, {pipeline_mode = #tpu.pipeline_mode<synchronous>, transform_indices = @transform_1, window_bounds = array<i64: 1, 128>}, {pipeline_mode = #tpu.pipeline_mode<synchronous>, transform_indices = @transform_2, window_bounds = array<i64: 1, 128>}, {transform_indices = @transform_3, window_bounds = array<i64: 1000, 128>}, {transform_indices = @transform_4, window_bounds = array<i64: 1000, 8, 128>}, {transform_indices = @transform_5, window_bounds = array<i64: 1000, 128>}, {pipeline_mode = #tpu.pipeline_mode<synchronous>, transform_indices = @transform_6, window_bounds = array<i64: 3, 128, 128>}, {pipeline_mode = #tpu.pipeline_mode<synchronous>, transform_indices = @transform_7, window_bounds = array<i64: 1, 128>}, {pipeline_mode = #tpu.pipeline_mode<synchronous>, transform_indices = @transform_8, window_bounds = array<i64: 128, 128>}, {pipeline_mode = #tpu.pipeline_mode<synchronous>, transform_indices = @transform_9, window_bounds = array<i64: 1, 128>}, {pipeline_mode = #tpu.pipeline_mode<synchronous>, transform_indices = @transform_10, window_bounds = array<i64: 128, 128>}, {transform_indices = @transform_11, window_bounds = array<i64: 1000, 128>}, {transform_indices = @transform_12, window_bounds = array<i64: 1, 2, 128>}]} {
    %eq3A = arith.constant 0 : i32
    %eq3A_0 = arith.cmpi eq, %arg0, %eq3A : i32
    %convert_element_type3A = arith.extui %eq3A_0 : i1 to i32
    %cond3A = arith.constant 0 : i32
    %cond3A_1 = arith.cmpi ne, %convert_element_type3A, %cond3A : i32
    scf.if %cond3A_1 {
      %get3A_414 = arith.constant 0 : index
      %get3A_415 = arith.constant 0 : index
      %get3A_416 = arith.constant 0 : index
      %get3A_417 = vector.load %arg1[%get3A_414, %get3A_415, %get3A_416] : memref<50x2x128xf32, #tpu.memory_space<vmem>>, vector<50x2x128xf32>
      %get3A_418 = arith.constant 0 : index
      %get3A_419 = arith.constant 0 : index
      %get3A_420 = vector.load %arg2[%get3A_418, %get3A_419] : memref<1x128xf32, #tpu.memory_space<vmem>>, vector<1x128xf32>
      %get3A_421 = arith.constant 0 : index
      %get3A_422 = arith.constant 0 : index
      %get3A_423 = vector.load %arg3[%get3A_421, %get3A_422] : memref<1x128xf32, #tpu.memory_space<vmem>>, vector<1x128xf32>
      %reduce_sum3A_424 = arith.constant dense<0.000000e+00> : vector<2x128xf32>
      %reduce_sum3A_425 = vector.multi_reduction <add>, %get3A_417, %reduce_sum3A_424 [0] : vector<50x2x128xf32> to vector<2x128xf32>
      %slice3A = vector.extract_strided_slice %reduce_sum3A_425 {offsets = [0, 0], sizes = [1, 128], strides = [1, 1]} : vector<2x128xf32> to vector<1x128xf32>
      %div3A = arith.constant 5.000000e+04 : f32
      %div3A_426 = vector.broadcast %div3A : f32 to vector<1x128xf32>
      %div3A_427 = arith.divf %slice3A, %div3A_426 : vector<1x128xf32>
      %slice3A_428 = vector.extract_strided_slice %reduce_sum3A_425 {offsets = [1, 0], sizes = [1, 128], strides = [1, 1]} : vector<2x128xf32> to vector<1x128xf32>
      %div3A_429 = arith.constant 5.000000e+04 : f32
      %div3A_430 = vector.broadcast %div3A_429 : f32 to vector<1x128xf32>
      %div3A_431 = arith.divf %slice3A_428, %div3A_430 : vector<1x128xf32>
      %mul3A_432 = arith.mulf %div3A_427, %div3A_427 : vector<1x128xf32>
      %sub3A_433 = arith.subf %div3A_431, %mul3A_432 : vector<1x128xf32>
      %add3A_434 = arith.constant 9.99999974E-6 : f32
      %add3A_435 = vector.broadcast %add3A_434 : f32 to vector<1x128xf32>
      %add3A_436 = arith.addf %sub3A_433, %add3A_435 : vector<1x128xf32>
      %rsqrt3A = math.rsqrt %add3A_436 : vector<1x128xf32>
      %mul3A_437 = arith.mulf %get3A_420, %rsqrt3A : vector<1x128xf32>
      %mul3A_438 = arith.mulf %div3A_427, %mul3A_437 : vector<1x128xf32>
      %sub3A_439 = arith.subf %get3A_423, %mul3A_438 : vector<1x128xf32>
      %swap3A_440 = arith.constant 0 : index
      %swap3A_441 = arith.constant 0 : index
      %swap3A_442 = vector.load %arg14[%swap3A_440, %swap3A_441] : memref<1x128xf32, #tpu.memory_space<vmem>>, vector<1x128xf32>
      tpu.vector_store %arg14[%swap3A_440, %swap3A_441], %mul3A_437 {strides = array<i32>} : memref<1x128xf32, #tpu.memory_space<vmem>>, vector<1x128xf32>,
      %swap3A_443 = arith.constant 0 : index
      %swap3A_444 = arith.constant 0 : index
      %swap3A_445 = vector.load %arg15[%swap3A_443, %swap3A_444] : memref<1x128xf32, #tpu.memory_space<vmem>>, vector<1x128xf32>
      tpu.vector_store %arg15[%swap3A_443, %swap3A_444], %sub3A_439 {strides = array<i32>} : memref<1x128xf32, #tpu.memory_space<vmem>>, vector<1x128xf32>,
    } else {
    }
    %get3A = arith.constant 0 : index
    %get3A_2 = arith.constant 0 : index
    %get3A_3 = vector.load %arg14[%get3A, %get3A_2] : memref<1x128xf32, #tpu.memory_space<vmem>>, vector<1x128xf32>
    %get3A_4 = arith.constant 0 : index
    %get3A_5 = arith.constant 0 : index
    %get3A_6 = vector.load %arg15[%get3A_4, %get3A_5] : memref<1x128xf32, #tpu.memory_space<vmem>>, vector<1x128xf32>
    %get3A_7 = arith.constant 0 : index
    %get3A_8 = arith.constant 0 : index
    %get3A_9 = vector.load %arg4[%get3A_7, %get3A_8] : memref<1000x128xf32, #tpu.memory_space<vmem>>, vector<1000x128xf32>
    %mul3A = vector.broadcast %get3A_3 : vector<1x128xf32> to vector<1000x128xf32>
    %mul3A_10 = arith.mulf %get3A_9, %mul3A : vector<1000x128xf32>
    %add3A = vector.broadcast %get3A_6 : vector<1x128xf32> to vector<1000x128xf32>
    %add3A_11 = arith.addf %mul3A_10, %add3A : vector<1000x128xf32>
    %get3A_12 = arith.constant 0 : index
    %get3A_13 = arith.constant 0 : index
    %get3A_14 = vector.load %arg6[%get3A_12, %get3A_13] : memref<1000x128xf32, #tpu.memory_space<vmem>>, vector<1000x128xf32>
    %mul3A_15 = vector.broadcast %get3A_3 : vector<1x128xf32> to vector<1000x128xf32>
    %mul3A_16 = arith.mulf %get3A_14, %mul3A_15 : vector<1000x128xf32>
    %add3A_17 = vector.broadcast %get3A_6 : vector<1x128xf32> to vector<1000x128xf32>
    %add3A_18 = arith.addf %mul3A_16, %add3A_17 : vector<1000x128xf32>
    %get3A_19 = arith.constant 0 : index
    %get3A_20 = arith.constant 0 : index
    %get3A_21 = arith.constant 0 : index
    %get3A_22 = vector.load %arg5[%get3A_19, %get3A_20, %get3A_21] : memref<1000x8x128xf32, #tpu.memory_space<vmem>>, vector<1000x1x128xf32>
    %get3A_23 = vector.shape_cast %get3A_22 : vector<1000x1x128xf32> to vector<1000x128xf32>
    %mul3A_24 = vector.broadcast %get3A_3 : vector<1x128xf32> to vector<1000x128xf32>
    %mul3A_25 = arith.mulf %get3A_23, %mul3A_24 : vector<1000x128xf32>
    %add3A_26 = vector.broadcast %get3A_6 : vector<1x128xf32> to vector<1000x128xf32>
    %add3A_27 = arith.addf %mul3A_25, %add3A_26 : vector<1000x128xf32>
    %get3A_28 = arith.constant 0 : index
    %get3A_29 = arith.constant 1 : index
    %get3A_30 = arith.constant 0 : index
    %get3A_31 = vector.load %arg5[%get3A_28, %get3A_29, %get3A_30] : memref<1000x8x128xf32, #tpu.memory_space<vmem>>, vector<1000x1x128xf32>
    %get3A_32 = vector.shape_cast %get3A_31 : vector<1000x1x128xf32> to vector<1000x128xf32>
    %mul3A_33 = vector.broadcast %get3A_3 : vector<1x128xf32> to vector<1000x128xf32>
    %mul3A_34 = arith.mulf %get3A_32, %mul3A_33 : vector<1000x128xf32>
    %add3A_35 = vector.broadcast %get3A_6 : vector<1x128xf32> to vector<1000x128xf32>
    %add3A_36 = arith.addf %mul3A_34, %add3A_35 : vector<1000x128xf32>
    %get3A_37 = arith.constant 0 : index
    %get3A_38 = arith.constant 2 : index
    %get3A_39 = arith.constant 0 : index
    %get3A_40 = vector.load %arg5[%get3A_37, %get3A_38, %get3A_39] : memref<1000x8x128xf32, #tpu.memory_space<vmem>>, vector<1000x1x128xf32>
    %get3A_41 = vector.shape_cast %get3A_40 : vector<1000x1x128xf32> to vector<1000x128xf32>
    %mul3A_42 = vector.broadcast %get3A_3 : vector<1x128xf32> to vector<1000x128xf32>
    %mul3A_43 = arith.mulf %get3A_41, %mul3A_42 : vector<1000x128xf32>
    %add3A_44 = vector.broadcast %get3A_6 : vector<1x128xf32> to vector<1000x128xf32>
    %add3A_45 = arith.addf %mul3A_43, %add3A_44 : vector<1000x128xf32>
    %get3A_46 = arith.constant 0 : index
    %get3A_47 = arith.constant 3 : index
    %get3A_48 = arith.constant 0 : index
    %get3A_49 = vector.load %arg5[%get3A_46, %get3A_47, %get3A_48] : memref<1000x8x128xf32, #tpu.memory_space<vmem>>, vector<1000x1x128xf32>
    %get3A_50 = vector.shape_cast %get3A_49 : vector<1000x1x128xf32> to vector<1000x128xf32>
    %mul3A_51 = vector.broadcast %get3A_3 : vector<1x128xf32> to vector<1000x128xf32>
    %mul3A_52 = arith.mulf %get3A_50, %mul3A_51 : vector<1000x128xf32>
    %add3A_53 = vector.broadcast %get3A_6 : vector<1x128xf32> to vector<1000x128xf32>
    %add3A_54 = arith.addf %mul3A_52, %add3A_53 : vector<1000x128xf32>
    %get3A_55 = arith.constant 0 : index
    %get3A_56 = arith.constant 4 : index
    %get3A_57 = arith.constant 0 : index
    %get3A_58 = vector.load %arg5[%get3A_55, %get3A_56, %get3A_57] : memref<1000x8x128xf32, #tpu.memory_space<vmem>>, vector<1000x1x128xf32>
    %get3A_59 = vector.shape_cast %get3A_58 : vector<1000x1x128xf32> to vector<1000x128xf32>
    %mul3A_60 = vector.broadcast %get3A_3 : vector<1x128xf32> to vector<1000x128xf32>
    %mul3A_61 = arith.mulf %get3A_59, %mul3A_60 : vector<1000x128xf32>
    %add3A_62 = vector.broadcast %get3A_6 : vector<1x128xf32> to vector<1000x128xf32>
    %add3A_63 = arith.addf %mul3A_61, %add3A_62 : vector<1000x128xf32>
    %get3A_64 = arith.constant 0 : index
    %get3A_65 = arith.constant 5 : index
    %get3A_66 = arith.constant 0 : index
    %get3A_67 = vector.load %arg5[%get3A_64, %get3A_65, %get3A_66] : memref<1000x8x128xf32, #tpu.memory_space<vmem>>, vector<1000x1x128xf32>
    %get3A_68 = vector.shape_cast %get3A_67 : vector<1000x1x128xf32> to vector<1000x128xf32>
    %mul3A_69 = vector.broadcast %get3A_3 : vector<1x128xf32> to vector<1000x128xf32>
    %mul3A_70 = arith.mulf %get3A_68, %mul3A_69 : vector<1000x128xf32>
    %add3A_71 = vector.broadcast %get3A_6 : vector<1x128xf32> to vector<1000x128xf32>
    %add3A_72 = arith.addf %mul3A_70, %add3A_71 : vector<1000x128xf32>
    %get3A_73 = arith.constant 0 : index
    %get3A_74 = arith.constant 6 : index
    %get3A_75 = arith.constant 0 : index
    %get3A_76 = vector.load %arg5[%get3A_73, %get3A_74, %get3A_75] : memref<1000x8x128xf32, #tpu.memory_space<vmem>>, vector<1000x1x128xf32>
    %get3A_77 = vector.shape_cast %get3A_76 : vector<1000x1x128xf32> to vector<1000x128xf32>
    %mul3A_78 = vector.broadcast %get3A_3 : vector<1x128xf32> to vector<1000x128xf32>
    %mul3A_79 = arith.mulf %get3A_77, %mul3A_78 : vector<1000x128xf32>
    %add3A_80 = vector.broadcast %get3A_6 : vector<1x128xf32> to vector<1000x128xf32>
    %add3A_81 = arith.addf %mul3A_79, %add3A_80 : vector<1000x128xf32>
    %get3A_82 = arith.constant 0 : index
    %get3A_83 = arith.constant 7 : index
    %get3A_84 = arith.constant 0 : index
    %get3A_85 = vector.load %arg5[%get3A_82, %get3A_83, %get3A_84] : memref<1000x8x128xf32, #tpu.memory_space<vmem>>, vector<1000x1x128xf32>
    %get3A_86 = vector.shape_cast %get3A_85 : vector<1000x1x128xf32> to vector<1000x128xf32>
    %mul3A_87 = vector.broadcast %get3A_3 : vector<1x128xf32> to vector<1000x128xf32>
    %mul3A_88 = arith.mulf %get3A_86, %mul3A_87 : vector<1000x128xf32>
    %add3A_89 = vector.broadcast %get3A_6 : vector<1x128xf32> to vector<1000x128xf32>
    %add3A_90 = arith.addf %mul3A_88, %add3A_89 : vector<1000x128xf32>
    %broadcast_in_dim3A = arith.constant 0.000000e+00 : f32
    %broadcast_in_dim3A_91 = vector.broadcast %broadcast_in_dim3A : f32 to vector<1000x128xf32>
    %get3A_92 = arith.constant 0 : index
    %get3A_93 = arith.constant 0 : index
    %get3A_94 = vector.load %arg8[%get3A_92, %get3A_93] : memref<1x128xf32, #tpu.memory_space<vmem>>, vector<1x128xf32>
    %get3A_95 = arith.constant 0 : index
    %get3A_96 = arith.constant 0 : index
    %get3A_97 = arith.constant 0 : index
    %get3A_98 = vector.load %arg7[%get3A_95, %get3A_96, %get3A_97] : memref<3x128x128xf32, #tpu.memory_space<vmem>>, vector<1x128x128xf32>
    %get3A_99 = vector.shape_cast %get3A_98 : vector<1x128x128xf32> to vector<128x128xf32>
    %dot_general3A = arith.constant dense<0.000000e+00> : vector<1000x128xf32>
    %dot_general3A_100 = tpu.matmul %add3A_27, %get3A_99, %dot_general3A {dimension_numbers = #tpu.dot_dimension_numbers<[1], [0], [0], [1], [0, 0, 1, 1], [], []>, transpose_lhs_hint = false} : vector<1000x128xf32>, vector<128x128xf32>, vector<1000x128xf32> -> vector<1000x128xf32>
    %add3A_101 = vector.broadcast %get3A_94 : vector<1x128xf32> to vector<1000x128xf32>
    %add3A_102 = arith.addf %add3A_101, %dot_general3A_100 : vector<1000x128xf32>
    %get3A_103 = arith.constant 1 : index
    %get3A_104 = arith.constant 0 : index
    %get3A_105 = arith.constant 0 : index
    %get3A_106 = vector.load %arg7[%get3A_103, %get3A_104, %get3A_105] : memref<3x128x128xf32, #tpu.memory_space<vmem>>, vector<1x128x128xf32>
    %get3A_107 = vector.shape_cast %get3A_106 : vector<1x128x128xf32> to vector<128x128xf32>
    %dot_general3A_108 = arith.constant dense<0.000000e+00> : vector<1000x128xf32>
    %dot_general3A_109 = tpu.matmul %add3A_36, %get3A_107, %dot_general3A_108 {dimension_numbers = #tpu.dot_dimension_numbers<[1], [0], [0], [1], [0, 0, 1, 1], [], []>, transpose_lhs_hint = false} : vector<1000x128xf32>, vector<128x128xf32>, vector<1000x128xf32> -> vector<1000x128xf32>
    %add3A_110 = arith.addf %add3A_102, %dot_general3A_109 : vector<1000x128xf32>
    %get3A_111 = arith.constant 2 : index
    %get3A_112 = arith.constant 0 : index
    %get3A_113 = arith.constant 0 : index
    %get3A_114 = vector.load %arg7[%get3A_111, %get3A_112, %get3A_113] : memref<3x128x128xf32, #tpu.memory_space<vmem>>, vector<1x128x128xf32>
    %get3A_115 = vector.shape_cast %get3A_114 : vector<1x128x128xf32> to vector<128x128xf32>
    %dot_general3A_116 = arith.constant dense<0.000000e+00> : vector<1000x128xf32>
    %dot_general3A_117 = tpu.matmul %add3A_45, %get3A_115, %dot_general3A_116 {dimension_numbers = #tpu.dot_dimension_numbers<[1], [0], [0], [1], [0, 0, 1, 1], [], []>, transpose_lhs_hint = false} : vector<1000x128xf32>, vector<128x128xf32>, vector<1000x128xf32> -> vector<1000x128xf32>
    %add3A_118 = arith.addf %add3A_110, %dot_general3A_117 : vector<1000x128xf32>
    %gt3A = arith.constant 0.000000e+00 : f32
    %gt3A_119 = vector.broadcast %gt3A : f32 to vector<1000x128xf32>
    %gt3A_120 = arith.cmpf ogt, %add3A_118, %gt3A_119 : vector<1000x128xf32>
    %exp3A = math.exp %add3A_118 : vector<1000x128xf32>
    %sub3A = arith.constant 1.000000e+00 : f32
    %sub3A_121 = vector.broadcast %sub3A : f32 to vector<1000x128xf32>
    %sub3A_122 = arith.subf %exp3A, %sub3A_121 : vector<1000x128xf32>
    %select_n3A = arith.select %gt3A_120, %add3A_118, %sub3A_122 : vector<1000x128xi1>, vector<1000x128xf32>
    %add3A_123 = arith.addf %broadcast_in_dim3A_91, %select_n3A : vector<1000x128xf32>
    %get3A_124 = arith.constant 0 : index
    %get3A_125 = arith.constant 0 : index
    %get3A_126 = vector.load %arg8[%get3A_124, %get3A_125] : memref<1x128xf32, #tpu.memory_space<vmem>>, vector<1x128xf32>
    %get3A_127 = arith.constant 0 : index
    %get3A_128 = arith.constant 0 : index
    %get3A_129 = arith.constant 0 : index
    %get3A_130 = vector.load %arg7[%get3A_127, %get3A_128, %get3A_129] : memref<3x128x128xf32, #tpu.memory_space<vmem>>, vector<1x128x128xf32>
    %get3A_131 = vector.shape_cast %get3A_130 : vector<1x128x128xf32> to vector<128x128xf32>
    %dot_general3A_132 = arith.constant dense<0.000000e+00> : vector<1000x128xf32>
    %dot_general3A_133 = tpu.matmul %add3A_36, %get3A_131, %dot_general3A_132 {dimension_numbers = #tpu.dot_dimension_numbers<[1], [0], [0], [1], [0, 0, 1, 1], [], []>, transpose_lhs_hint = false} : vector<1000x128xf32>, vector<128x128xf32>, vector<1000x128xf32> -> vector<1000x128xf32>
    %add3A_134 = vector.broadcast %get3A_126 : vector<1x128xf32> to vector<1000x128xf32>
    %add3A_135 = arith.addf %add3A_134, %dot_general3A_133 : vector<1000x128xf32>
    %get3A_136 = arith.constant 1 : index
    %get3A_137 = arith.constant 0 : index
    %get3A_138 = arith.constant 0 : index
    %get3A_139 = vector.load %arg7[%get3A_136, %get3A_137, %get3A_138] : memref<3x128x128xf32, #tpu.memory_space<vmem>>, vector<1x128x128xf32>
    %get3A_140 = vector.shape_cast %get3A_139 : vector<1x128x128xf32> to vector<128x128xf32>
    %dot_general3A_141 = arith.constant dense<0.000000e+00> : vector<1000x128xf32>
    %dot_general3A_142 = tpu.matmul %add3A_45, %get3A_140, %dot_general3A_141 {dimension_numbers = #tpu.dot_dimension_numbers<[1], [0], [0], [1], [0, 0, 1, 1], [], []>, transpose_lhs_hint = false} : vector<1000x128xf32>, vector<128x128xf32>, vector<1000x128xf32> -> vector<1000x128xf32>
    %add3A_143 = arith.addf %add3A_135, %dot_general3A_142 : vector<1000x128xf32>
    %get3A_144 = arith.constant 2 : index
    %get3A_145 = arith.constant 0 : index
    %get3A_146 = arith.constant 0 : index
    %get3A_147 = vector.load %arg7[%get3A_144, %get3A_145, %get3A_146] : memref<3x128x128xf32, #tpu.memory_space<vmem>>, vector<1x128x128xf32>
    %get3A_148 = vector.shape_cast %get3A_147 : vector<1x128x128xf32> to vector<128x128xf32>
    %dot_general3A_149 = arith.constant dense<0.000000e+00> : vector<1000x128xf32>
    %dot_general3A_150 = tpu.matmul %add3A_54, %get3A_148, %dot_general3A_149 {dimension_numbers = #tpu.dot_dimension_numbers<[1], [0], [0], [1], [0, 0, 1, 1], [], []>, transpose_lhs_hint = false} : vector<1000x128xf32>, vector<128x128xf32>, vector<1000x128xf32> -> vector<1000x128xf32>
    %add3A_151 = arith.addf %add3A_143, %dot_general3A_150 : vector<1000x128xf32>
    %gt3A_152 = arith.constant 0.000000e+00 : f32
    %gt3A_153 = vector.broadcast %gt3A_152 : f32 to vector<1000x128xf32>
    %gt3A_154 = arith.cmpf ogt, %add3A_151, %gt3A_153 : vector<1000x128xf32>
    %exp3A_155 = math.exp %add3A_151 : vector<1000x128xf32>
    %sub3A_156 = arith.constant 1.000000e+00 : f32
    %sub3A_157 = vector.broadcast %sub3A_156 : f32 to vector<1000x128xf32>
    %sub3A_158 = arith.subf %exp3A_155, %sub3A_157 : vector<1000x128xf32>
    %select_n3A_159 = arith.select %gt3A_154, %add3A_151, %sub3A_158 : vector<1000x128xi1>, vector<1000x128xf32>
    %add3A_160 = arith.addf %add3A_123, %select_n3A_159 : vector<1000x128xf32>
    %get3A_161 = arith.constant 0 : index
    %get3A_162 = arith.constant 0 : index
    %get3A_163 = vector.load %arg8[%get3A_161, %get3A_162] : memref<1x128xf32, #tpu.memory_space<vmem>>, vector<1x128xf32>
    %get3A_164 = arith.constant 0 : index
    %get3A_165 = arith.constant 0 : index
    %get3A_166 = arith.constant 0 : index
    %get3A_167 = vector.load %arg7[%get3A_164, %get3A_165, %get3A_166] : memref<3x128x128xf32, #tpu.memory_space<vmem>>, vector<1x128x128xf32>
    %get3A_168 = vector.shape_cast %get3A_167 : vector<1x128x128xf32> to vector<128x128xf32>
    %dot_general3A_169 = arith.constant dense<0.000000e+00> : vector<1000x128xf32>
    %dot_general3A_170 = tpu.matmul %add3A_45, %get3A_168, %dot_general3A_169 {dimension_numbers = #tpu.dot_dimension_numbers<[1], [0], [0], [1], [0, 0, 1, 1], [], []>, transpose_lhs_hint = false} : vector<1000x128xf32>, vector<128x128xf32>, vector<1000x128xf32> -> vector<1000x128xf32>
    %add3A_171 = vector.broadcast %get3A_163 : vector<1x128xf32> to vector<1000x128xf32>
    %add3A_172 = arith.addf %add3A_171, %dot_general3A_170 : vector<1000x128xf32>
    %get3A_173 = arith.constant 1 : index
    %get3A_174 = arith.constant 0 : index
    %get3A_175 = arith.constant 0 : index
    %get3A_176 = vector.load %arg7[%get3A_173, %get3A_174, %get3A_175] : memref<3x128x128xf32, #tpu.memory_space<vmem>>, vector<1x128x128xf32>
    %get3A_177 = vector.shape_cast %get3A_176 : vector<1x128x128xf32> to vector<128x128xf32>
    %dot_general3A_178 = arith.constant dense<0.000000e+00> : vector<1000x128xf32>
    %dot_general3A_179 = tpu.matmul %add3A_54, %get3A_177, %dot_general3A_178 {dimension_numbers = #tpu.dot_dimension_numbers<[1], [0], [0], [1], [0, 0, 1, 1], [], []>, transpose_lhs_hint = false} : vector<1000x128xf32>, vector<128x128xf32>, vector<1000x128xf32> -> vector<1000x128xf32>
    %add3A_180 = arith.addf %add3A_172, %dot_general3A_179 : vector<1000x128xf32>
    %get3A_181 = arith.constant 2 : index
    %get3A_182 = arith.constant 0 : index
    %get3A_183 = arith.constant 0 : index
    %get3A_184 = vector.load %arg7[%get3A_181, %get3A_182, %get3A_183] : memref<3x128x128xf32, #tpu.memory_space<vmem>>, vector<1x128x128xf32>
    %get3A_185 = vector.shape_cast %get3A_184 : vector<1x128x128xf32> to vector<128x128xf32>
    %dot_general3A_186 = arith.constant dense<0.000000e+00> : vector<1000x128xf32>
    %dot_general3A_187 = tpu.matmul %add3A_63, %get3A_185, %dot_general3A_186 {dimension_numbers = #tpu.dot_dimension_numbers<[1], [0], [0], [1], [0, 0, 1, 1], [], []>, transpose_lhs_hint = false} : vector<1000x128xf32>, vector<128x128xf32>, vector<1000x128xf32> -> vector<1000x128xf32>
    %add3A_188 = arith.addf %add3A_180, %dot_general3A_187 : vector<1000x128xf32>
    %gt3A_189 = arith.constant 0.000000e+00 : f32
    %gt3A_190 = vector.broadcast %gt3A_189 : f32 to vector<1000x128xf32>
    %gt3A_191 = arith.cmpf ogt, %add3A_188, %gt3A_190 : vector<1000x128xf32>
    %exp3A_192 = math.exp %add3A_188 : vector<1000x128xf32>
    %sub3A_193 = arith.constant 1.000000e+00 : f32
    %sub3A_194 = vector.broadcast %sub3A_193 : f32 to vector<1000x128xf32>
    %sub3A_195 = arith.subf %exp3A_192, %sub3A_194 : vector<1000x128xf32>
    %select_n3A_196 = arith.select %gt3A_191, %add3A_188, %sub3A_195 : vector<1000x128xi1>, vector<1000x128xf32>
    %add3A_197 = arith.addf %add3A_160, %select_n3A_196 : vector<1000x128xf32>
    %get3A_198 = arith.constant 0 : index
    %get3A_199 = arith.constant 0 : index
    %get3A_200 = vector.load %arg8[%get3A_198, %get3A_199] : memref<1x128xf32, #tpu.memory_space<vmem>>, vector<1x128xf32>
    %get3A_201 = arith.constant 0 : index
    %get3A_202 = arith.constant 0 : index
    %get3A_203 = arith.constant 0 : index
    %get3A_204 = vector.load %arg7[%get3A_201, %get3A_202, %get3A_203] : memref<3x128x128xf32, #tpu.memory_space<vmem>>, vector<1x128x128xf32>
    %get3A_205 = vector.shape_cast %get3A_204 : vector<1x128x128xf32> to vector<128x128xf32>
    %dot_general3A_206 = arith.constant dense<0.000000e+00> : vector<1000x128xf32>
    %dot_general3A_207 = tpu.matmul %add3A_54, %get3A_205, %dot_general3A_206 {dimension_numbers = #tpu.dot_dimension_numbers<[1], [0], [0], [1], [0, 0, 1, 1], [], []>, transpose_lhs_hint = false} : vector<1000x128xf32>, vector<128x128xf32>, vector<1000x128xf32> -> vector<1000x128xf32>
    %add3A_208 = vector.broadcast %get3A_200 : vector<1x128xf32> to vector<1000x128xf32>
    %add3A_209 = arith.addf %add3A_208, %dot_general3A_207 : vector<1000x128xf32>
    %get3A_210 = arith.constant 1 : index
    %get3A_211 = arith.constant 0 : index
    %get3A_212 = arith.constant 0 : index
    %get3A_213 = vector.load %arg7[%get3A_210, %get3A_211, %get3A_212] : memref<3x128x128xf32, #tpu.memory_space<vmem>>, vector<1x128x128xf32>
    %get3A_214 = vector.shape_cast %get3A_213 : vector<1x128x128xf32> to vector<128x128xf32>
    %dot_general3A_215 = arith.constant dense<0.000000e+00> : vector<1000x128xf32>
    %dot_general3A_216 = tpu.matmul %add3A_63, %get3A_214, %dot_general3A_215 {dimension_numbers = #tpu.dot_dimension_numbers<[1], [0], [0], [1], [0, 0, 1, 1], [], []>, transpose_lhs_hint = false} : vector<1000x128xf32>, vector<128x128xf32>, vector<1000x128xf32> -> vector<1000x128xf32>
    %add3A_217 = arith.addf %add3A_209, %dot_general3A_216 : vector<1000x128xf32>
    %get3A_218 = arith.constant 2 : index
    %get3A_219 = arith.constant 0 : index
    %get3A_220 = arith.constant 0 : index
    %get3A_221 = vector.load %arg7[%get3A_218, %get3A_219, %get3A_220] : memref<3x128x128xf32, #tpu.memory_space<vmem>>, vector<1x128x128xf32>
    %get3A_222 = vector.shape_cast %get3A_221 : vector<1x128x128xf32> to vector<128x128xf32>
    %dot_general3A_223 = arith.constant dense<0.000000e+00> : vector<1000x128xf32>
    %dot_general3A_224 = tpu.matmul %add3A_72, %get3A_222, %dot_general3A_223 {dimension_numbers = #tpu.dot_dimension_numbers<[1], [0], [0], [1], [0, 0, 1, 1], [], []>, transpose_lhs_hint = false} : vector<1000x128xf32>, vector<128x128xf32>, vector<1000x128xf32> -> vector<1000x128xf32>
    %add3A_225 = arith.addf %add3A_217, %dot_general3A_224 : vector<1000x128xf32>
    %gt3A_226 = arith.constant 0.000000e+00 : f32
    %gt3A_227 = vector.broadcast %gt3A_226 : f32 to vector<1000x128xf32>
    %gt3A_228 = arith.cmpf ogt, %add3A_225, %gt3A_227 : vector<1000x128xf32>
    %exp3A_229 = math.exp %add3A_225 : vector<1000x128xf32>
    %sub3A_230 = arith.constant 1.000000e+00 : f32
    %sub3A_231 = vector.broadcast %sub3A_230 : f32 to vector<1000x128xf32>
    %sub3A_232 = arith.subf %exp3A_229, %sub3A_231 : vector<1000x128xf32>
    %select_n3A_233 = arith.select %gt3A_228, %add3A_225, %sub3A_232 : vector<1000x128xi1>, vector<1000x128xf32>
    %add3A_234 = arith.addf %add3A_197, %select_n3A_233 : vector<1000x128xf32>
    %get3A_235 = arith.constant 0 : index
    %get3A_236 = arith.constant 0 : index
    %get3A_237 = vector.load %arg8[%get3A_235, %get3A_236] : memref<1x128xf32, #tpu.memory_space<vmem>>, vector<1x128xf32>
    %get3A_238 = arith.constant 0 : index
    %get3A_239 = arith.constant 0 : index
    %get3A_240 = arith.constant 0 : index
    %get3A_241 = vector.load %arg7[%get3A_238, %get3A_239, %get3A_240] : memref<3x128x128xf32, #tpu.memory_space<vmem>>, vector<1x128x128xf32>
    %get3A_242 = vector.shape_cast %get3A_241 : vector<1x128x128xf32> to vector<128x128xf32>
    %dot_general3A_243 = arith.constant dense<0.000000e+00> : vector<1000x128xf32>
    %dot_general3A_244 = tpu.matmul %add3A_63, %get3A_242, %dot_general3A_243 {dimension_numbers = #tpu.dot_dimension_numbers<[1], [0], [0], [1], [0, 0, 1, 1], [], []>, transpose_lhs_hint = false} : vector<1000x128xf32>, vector<128x128xf32>, vector<1000x128xf32> -> vector<1000x128xf32>
    %add3A_245 = vector.broadcast %get3A_237 : vector<1x128xf32> to vector<1000x128xf32>
    %add3A_246 = arith.addf %add3A_245, %dot_general3A_244 : vector<1000x128xf32>
    %get3A_247 = arith.constant 1 : index
    %get3A_248 = arith.constant 0 : index
    %get3A_249 = arith.constant 0 : index
    %get3A_250 = vector.load %arg7[%get3A_247, %get3A_248, %get3A_249] : memref<3x128x128xf32, #tpu.memory_space<vmem>>, vector<1x128x128xf32>
    %get3A_251 = vector.shape_cast %get3A_250 : vector<1x128x128xf32> to vector<128x128xf32>
    %dot_general3A_252 = arith.constant dense<0.000000e+00> : vector<1000x128xf32>
    %dot_general3A_253 = tpu.matmul %add3A_72, %get3A_251, %dot_general3A_252 {dimension_numbers = #tpu.dot_dimension_numbers<[1], [0], [0], [1], [0, 0, 1, 1], [], []>, transpose_lhs_hint = false} : vector<1000x128xf32>, vector<128x128xf32>, vector<1000x128xf32> -> vector<1000x128xf32>
    %add3A_254 = arith.addf %add3A_246, %dot_general3A_253 : vector<1000x128xf32>
    %get3A_255 = arith.constant 2 : index
    %get3A_256 = arith.constant 0 : index
    %get3A_257 = arith.constant 0 : index
    %get3A_258 = vector.load %arg7[%get3A_255, %get3A_256, %get3A_257] : memref<3x128x128xf32, #tpu.memory_space<vmem>>, vector<1x128x128xf32>
    %get3A_259 = vector.shape_cast %get3A_258 : vector<1x128x128xf32> to vector<128x128xf32>
    %dot_general3A_260 = arith.constant dense<0.000000e+00> : vector<1000x128xf32>
    %dot_general3A_261 = tpu.matmul %add3A_81, %get3A_259, %dot_general3A_260 {dimension_numbers = #tpu.dot_dimension_numbers<[1], [0], [0], [1], [0, 0, 1, 1], [], []>, transpose_lhs_hint = false} : vector<1000x128xf32>, vector<128x128xf32>, vector<1000x128xf32> -> vector<1000x128xf32>
    %add3A_262 = arith.addf %add3A_254, %dot_general3A_261 : vector<1000x128xf32>
    %gt3A_263 = arith.constant 0.000000e+00 : f32
    %gt3A_264 = vector.broadcast %gt3A_263 : f32 to vector<1000x128xf32>
    %gt3A_265 = arith.cmpf ogt, %add3A_262, %gt3A_264 : vector<1000x128xf32>
    %exp3A_266 = math.exp %add3A_262 : vector<1000x128xf32>
    %sub3A_267 = arith.constant 1.000000e+00 : f32
    %sub3A_268 = vector.broadcast %sub3A_267 : f32 to vector<1000x128xf32>
    %sub3A_269 = arith.subf %exp3A_266, %sub3A_268 : vector<1000x128xf32>
    %select_n3A_270 = arith.select %gt3A_265, %add3A_262, %sub3A_269 : vector<1000x128xi1>, vector<1000x128xf32>
    %add3A_271 = arith.addf %add3A_234, %select_n3A_270 : vector<1000x128xf32>
    %get3A_272 = arith.constant 0 : index
    %get3A_273 = arith.constant 0 : index
    %get3A_274 = vector.load %arg8[%get3A_272, %get3A_273] : memref<1x128xf32, #tpu.memory_space<vmem>>, vector<1x128xf32>
    %get3A_275 = arith.constant 0 : index
    %get3A_276 = arith.constant 0 : index
    %get3A_277 = arith.constant 0 : index
    %get3A_278 = vector.load %arg7[%get3A_275, %get3A_276, %get3A_277] : memref<3x128x128xf32, #tpu.memory_space<vmem>>, vector<1x128x128xf32>
    %get3A_279 = vector.shape_cast %get3A_278 : vector<1x128x128xf32> to vector<128x128xf32>
    %dot_general3A_280 = arith.constant dense<0.000000e+00> : vector<1000x128xf32>
    %dot_general3A_281 = tpu.matmul %add3A_72, %get3A_279, %dot_general3A_280 {dimension_numbers = #tpu.dot_dimension_numbers<[1], [0], [0], [1], [0, 0, 1, 1], [], []>, transpose_lhs_hint = false} : vector<1000x128xf32>, vector<128x128xf32>, vector<1000x128xf32> -> vector<1000x128xf32>
    %add3A_282 = vector.broadcast %get3A_274 : vector<1x128xf32> to vector<1000x128xf32>
    %add3A_283 = arith.addf %add3A_282, %dot_general3A_281 : vector<1000x128xf32>
    %get3A_284 = arith.constant 1 : index
    %get3A_285 = arith.constant 0 : index
    %get3A_286 = arith.constant 0 : index
    %get3A_287 = vector.load %arg7[%get3A_284, %get3A_285, %get3A_286] : memref<3x128x128xf32, #tpu.memory_space<vmem>>, vector<1x128x128xf32>
    %get3A_288 = vector.shape_cast %get3A_287 : vector<1x128x128xf32> to vector<128x128xf32>
    %dot_general3A_289 = arith.constant dense<0.000000e+00> : vector<1000x128xf32>
    %dot_general3A_290 = tpu.matmul %add3A_81, %get3A_288, %dot_general3A_289 {dimension_numbers = #tpu.dot_dimension_numbers<[1], [0], [0], [1], [0, 0, 1, 1], [], []>, transpose_lhs_hint = false} : vector<1000x128xf32>, vector<128x128xf32>, vector<1000x128xf32> -> vector<1000x128xf32>
    %add3A_291 = arith.addf %add3A_283, %dot_general3A_290 : vector<1000x128xf32>
    %get3A_292 = arith.constant 2 : index
    %get3A_293 = arith.constant 0 : index
    %get3A_294 = arith.constant 0 : index
    %get3A_295 = vector.load %arg7[%get3A_292, %get3A_293, %get3A_294] : memref<3x128x128xf32, #tpu.memory_space<vmem>>, vector<1x128x128xf32>
    %get3A_296 = vector.shape_cast %get3A_295 : vector<1x128x128xf32> to vector<128x128xf32>
    %dot_general3A_297 = arith.constant dense<0.000000e+00> : vector<1000x128xf32>
    %dot_general3A_298 = tpu.matmul %add3A_90, %get3A_296, %dot_general3A_297 {dimension_numbers = #tpu.dot_dimension_numbers<[1], [0], [0], [1], [0, 0, 1, 1], [], []>, transpose_lhs_hint = false} : vector<1000x128xf32>, vector<128x128xf32>, vector<1000x128xf32> -> vector<1000x128xf32>
    %add3A_299 = arith.addf %add3A_291, %dot_general3A_298 : vector<1000x128xf32>
    %gt3A_300 = arith.constant 0.000000e+00 : f32
    %gt3A_301 = vector.broadcast %gt3A_300 : f32 to vector<1000x128xf32>
    %gt3A_302 = arith.cmpf ogt, %add3A_299, %gt3A_301 : vector<1000x128xf32>
    %exp3A_303 = math.exp %add3A_299 : vector<1000x128xf32>
    %sub3A_304 = arith.constant 1.000000e+00 : f32
    %sub3A_305 = vector.broadcast %sub3A_304 : f32 to vector<1000x128xf32>
    %sub3A_306 = arith.subf %exp3A_303, %sub3A_305 : vector<1000x128xf32>
    %select_n3A_307 = arith.select %gt3A_302, %add3A_299, %sub3A_306 : vector<1000x128xi1>, vector<1000x128xf32>
    %add3A_308 = arith.addf %add3A_271, %select_n3A_307 : vector<1000x128xf32>
    %get3A_309 = arith.constant 0 : index
    %get3A_310 = arith.constant 0 : index
    %get3A_311 = vector.load %arg8[%get3A_309, %get3A_310] : memref<1x128xf32, #tpu.memory_space<vmem>>, vector<1x128xf32>
    %get3A_312 = arith.constant 0 : index
    %get3A_313 = arith.constant 0 : index
    %get3A_314 = arith.constant 0 : index
    %get3A_315 = vector.load %arg7[%get3A_312, %get3A_313, %get3A_314] : memref<3x128x128xf32, #tpu.memory_space<vmem>>, vector<1x128x128xf32>
    %get3A_316 = vector.shape_cast %get3A_315 : vector<1x128x128xf32> to vector<128x128xf32>
    %dot_general3A_317 = arith.constant dense<0.000000e+00> : vector<1000x128xf32>
    %dot_general3A_318 = tpu.matmul %add3A_81, %get3A_316, %dot_general3A_317 {dimension_numbers = #tpu.dot_dimension_numbers<[1], [0], [0], [1], [0, 0, 1, 1], [], []>, transpose_lhs_hint = false} : vector<1000x128xf32>, vector<128x128xf32>, vector<1000x128xf32> -> vector<1000x128xf32>
    %add3A_319 = vector.broadcast %get3A_311 : vector<1x128xf32> to vector<1000x128xf32>
    %add3A_320 = arith.addf %add3A_319, %dot_general3A_318 : vector<1000x128xf32>
    %get3A_321 = arith.constant 1 : index
    %get3A_322 = arith.constant 0 : index
    %get3A_323 = arith.constant 0 : index
    %get3A_324 = vector.load %arg7[%get3A_321, %get3A_322, %get3A_323] : memref<3x128x128xf32, #tpu.memory_space<vmem>>, vector<1x128x128xf32>
    %get3A_325 = vector.shape_cast %get3A_324 : vector<1x128x128xf32> to vector<128x128xf32>
    %dot_general3A_326 = arith.constant dense<0.000000e+00> : vector<1000x128xf32>
    %dot_general3A_327 = tpu.matmul %add3A_90, %get3A_325, %dot_general3A_326 {dimension_numbers = #tpu.dot_dimension_numbers<[1], [0], [0], [1], [0, 0, 1, 1], [], []>, transpose_lhs_hint = false} : vector<1000x128xf32>, vector<128x128xf32>, vector<1000x128xf32> -> vector<1000x128xf32>
    %add3A_328 = arith.addf %add3A_320, %dot_general3A_327 : vector<1000x128xf32>
    %get3A_329 = arith.constant 2 : index
    %get3A_330 = arith.constant 0 : index
    %get3A_331 = arith.constant 0 : index
    %get3A_332 = vector.load %arg7[%get3A_329, %get3A_330, %get3A_331] : memref<3x128x128xf32, #tpu.memory_space<vmem>>, vector<1x128x128xf32>
    %get3A_333 = vector.shape_cast %get3A_332 : vector<1x128x128xf32> to vector<128x128xf32>
    %dot_general3A_334 = arith.constant dense<0.000000e+00> : vector<1000x128xf32>
    %dot_general3A_335 = tpu.matmul %add3A_27, %get3A_333, %dot_general3A_334 {dimension_numbers = #tpu.dot_dimension_numbers<[1], [0], [0], [1], [0, 0, 1, 1], [], []>, transpose_lhs_hint = false} : vector<1000x128xf32>, vector<128x128xf32>, vector<1000x128xf32> -> vector<1000x128xf32>
    %add3A_336 = arith.addf %add3A_328, %dot_general3A_335 : vector<1000x128xf32>
    %gt3A_337 = arith.constant 0.000000e+00 : f32
    %gt3A_338 = vector.broadcast %gt3A_337 : f32 to vector<1000x128xf32>
    %gt3A_339 = arith.cmpf ogt, %add3A_336, %gt3A_338 : vector<1000x128xf32>
    %exp3A_340 = math.exp %add3A_336 : vector<1000x128xf32>
    %sub3A_341 = arith.constant 1.000000e+00 : f32
    %sub3A_342 = vector.broadcast %sub3A_341 : f32 to vector<1000x128xf32>
    %sub3A_343 = arith.subf %exp3A_340, %sub3A_342 : vector<1000x128xf32>
    %select_n3A_344 = arith.select %gt3A_339, %add3A_336, %sub3A_343 : vector<1000x128xi1>, vector<1000x128xf32>
    %add3A_345 = arith.addf %add3A_308, %select_n3A_344 : vector<1000x128xf32>
    %get3A_346 = arith.constant 0 : index
    %get3A_347 = arith.constant 0 : index
    %get3A_348 = vector.load %arg8[%get3A_346, %get3A_347] : memref<1x128xf32, #tpu.memory_space<vmem>>, vector<1x128xf32>
    %get3A_349 = arith.constant 0 : index
    %get3A_350 = arith.constant 0 : index
    %get3A_351 = arith.constant 0 : index
    %get3A_352 = vector.load %arg7[%get3A_349, %get3A_350, %get3A_351] : memref<3x128x128xf32, #tpu.memory_space<vmem>>, vector<1x128x128xf32>
    %get3A_353 = vector.shape_cast %get3A_352 : vector<1x128x128xf32> to vector<128x128xf32>
    %dot_general3A_354 = arith.constant dense<0.000000e+00> : vector<1000x128xf32>
    %dot_general3A_355 = tpu.matmul %add3A_90, %get3A_353, %dot_general3A_354 {dimension_numbers = #tpu.dot_dimension_numbers<[1], [0], [0], [1], [0, 0, 1, 1], [], []>, transpose_lhs_hint = false} : vector<1000x128xf32>, vector<128x128xf32>, vector<1000x128xf32> -> vector<1000x128xf32>
    %add3A_356 = vector.broadcast %get3A_348 : vector<1x128xf32> to vector<1000x128xf32>
    %add3A_357 = arith.addf %add3A_356, %dot_general3A_355 : vector<1000x128xf32>
    %get3A_358 = arith.constant 1 : index
    %get3A_359 = arith.constant 0 : index
    %get3A_360 = arith.constant 0 : index
    %get3A_361 = vector.load %arg7[%get3A_358, %get3A_359, %get3A_360] : memref<3x128x128xf32, #tpu.memory_space<vmem>>, vector<1x128x128xf32>
    %get3A_362 = vector.shape_cast %get3A_361 : vector<1x128x128xf32> to vector<128x128xf32>
    %dot_general3A_363 = arith.constant dense<0.000000e+00> : vector<1000x128xf32>
    %dot_general3A_364 = tpu.matmul %add3A_27, %get3A_362, %dot_general3A_363 {dimension_numbers = #tpu.dot_dimension_numbers<[1], [0], [0], [1], [0, 0, 1, 1], [], []>, transpose_lhs_hint = false} : vector<1000x128xf32>, vector<128x128xf32>, vector<1000x128xf32> -> vector<1000x128xf32>
    %add3A_365 = arith.addf %add3A_357, %dot_general3A_364 : vector<1000x128xf32>
    %get3A_366 = arith.constant 2 : index
    %get3A_367 = arith.constant 0 : index
    %get3A_368 = arith.constant 0 : index
    %get3A_369 = vector.load %arg7[%get3A_366, %get3A_367, %get3A_368] : memref<3x128x128xf32, #tpu.memory_space<vmem>>, vector<1x128x128xf32>
    %get3A_370 = vector.shape_cast %get3A_369 : vector<1x128x128xf32> to vector<128x128xf32>
    %dot_general3A_371 = arith.constant dense<0.000000e+00> : vector<1000x128xf32>
    %dot_general3A_372 = tpu.matmul %add3A_36, %get3A_370, %dot_general3A_371 {dimension_numbers = #tpu.dot_dimension_numbers<[1], [0], [0], [1], [0, 0, 1, 1], [], []>, transpose_lhs_hint = false} : vector<1000x128xf32>, vector<128x128xf32>, vector<1000x128xf32> -> vector<1000x128xf32>
    %add3A_373 = arith.addf %add3A_365, %dot_general3A_372 : vector<1000x128xf32>
    %gt3A_374 = arith.constant 0.000000e+00 : f32
    %gt3A_375 = vector.broadcast %gt3A_374 : f32 to vector<1000x128xf32>
    %gt3A_376 = arith.cmpf ogt, %add3A_373, %gt3A_375 : vector<1000x128xf32>
    %exp3A_377 = math.exp %add3A_373 : vector<1000x128xf32>
    %sub3A_378 = arith.constant 1.000000e+00 : f32
    %sub3A_379 = vector.broadcast %sub3A_378 : f32 to vector<1000x128xf32>
    %sub3A_380 = arith.subf %exp3A_377, %sub3A_379 : vector<1000x128xf32>
    %select_n3A_381 = arith.select %gt3A_376, %add3A_373, %sub3A_380 : vector<1000x128xi1>, vector<1000x128xf32>
    %add3A_382 = arith.addf %add3A_345, %select_n3A_381 : vector<1000x128xf32>
    %get3A_383 = arith.constant 0 : index
    %get3A_384 = arith.constant 0 : index
    %get3A_385 = vector.load %arg9[%get3A_383, %get3A_384] : memref<128x128xf32, #tpu.memory_space<vmem>>, vector<128x128xf32>
    %dot_general3A_386 = arith.constant dense<0.000000e+00> : vector<1000x128xf32>
    %dot_general3A_387 = tpu.matmul %add3A_11, %get3A_385, %dot_general3A_386 {dimension_numbers = #tpu.dot_dimension_numbers<[1], [0], [0], [1], [0, 0, 1, 1], [], []>, transpose_lhs_hint = false} : vector<1000x128xf32>, vector<128x128xf32>, vector<1000x128xf32> -> vector<1000x128xf32>
    %get3A_388 = arith.constant 0 : index
    %get3A_389 = arith.constant 0 : index
    %get3A_390 = vector.load %arg10[%get3A_388, %get3A_389] : memref<1x128xf32, #tpu.memory_space<vmem>>, vector<1x128xf32>
    %add3A_391 = vector.broadcast %get3A_390 : vector<1x128xf32> to vector<1000x128xf32>
    %add3A_392 = arith.addf %dot_general3A_387, %add3A_391 : vector<1000x128xf32>
    %get3A_393 = arith.constant 0 : index
    %get3A_394 = arith.constant 0 : index
    %get3A_395 = vector.load %arg11[%get3A_393, %get3A_394] : memref<128x128xf32, #tpu.memory_space<vmem>>, vector<128x128xf32>
    %dot_general3A_396 = arith.constant dense<0.000000e+00> : vector<1000x128xf32>
    %dot_general3A_397 = tpu.matmul %add3A_18, %get3A_395, %dot_general3A_396 {dimension_numbers = #tpu.dot_dimension_numbers<[1], [0], [0], [1], [0, 0, 1, 1], [], []>, transpose_lhs_hint = false} : vector<1000x128xf32>, vector<128x128xf32>, vector<1000x128xf32> -> vector<1000x128xf32>
    %add3A_398 = arith.addf %add3A_392, %dot_general3A_397 : vector<1000x128xf32>
    %add3A_399 = arith.addf %add3A_398, %add3A_382 : vector<1000x128xf32>
    %add3A_400 = arith.addf %add3A_399, %add3A_11 : vector<1000x128xf32>
    %swap3A = arith.constant 0 : index
    %swap3A_401 = arith.constant 0 : index
    %swap3A_402 = vector.load %arg12[%swap3A, %swap3A_401] : memref<1000x128xf32, #tpu.memory_space<vmem>>, vector<1000x128xf32>
    tpu.vector_store %arg12[%swap3A, %swap3A_401], %add3A_400 {strides = array<i32>} : memref<1000x128xf32, #tpu.memory_space<vmem>>, vector<1000x128xf32>,
    %reduce_sum3A = arith.constant dense<0.000000e+00> : vector<128xf32>
    %reduce_sum3A_403 = vector.multi_reduction <add>, %add3A_400, %reduce_sum3A [0] : vector<1000x128xf32> to vector<128xf32>
    %broadcast_in_dim3A_404 = vector.shape_cast %reduce_sum3A_403 : vector<128xf32> to vector<1x128xf32>
    %mul3A_405 = arith.mulf %add3A_400, %add3A_400 : vector<1000x128xf32>
    %reduce_sum3A_406 = arith.constant dense<0.000000e+00> : vector<128xf32>
    %reduce_sum3A_407 = vector.multi_reduction <add>, %mul3A_405, %reduce_sum3A_406 [0] : vector<1000x128xf32> to vector<128xf32>
    %broadcast_in_dim3A_408 = vector.shape_cast %reduce_sum3A_407 : vector<128xf32> to vector<1x128xf32>
    %concatenate3A = tpu.concatenate %broadcast_in_dim3A_404, %broadcast_in_dim3A_408 in 0 : vector<1x128xf32>, vector<1x128xf32> -> vector<2x128xf32>
    %broadcast_in_dim3A_409 = vector.shape_cast %concatenate3A : vector<2x128xf32> to vector<1x2x128xf32>
    %swap3A_410 = arith.constant 0 : index
    %swap3A_411 = arith.constant 0 : index
    %swap3A_412 = arith.constant 0 : index
    %swap3A_413 = vector.load %arg13[%swap3A_410, %swap3A_411, %swap3A_412] : memref<1x2x128xf32, #tpu.memory_space<vmem>>, vector<1x2x128xf32>
    tpu.vector_store %arg13[%swap3A_410, %swap3A_411, %swap3A_412], %broadcast_in_dim3A_409 {strides = array<i32>} : memref<1x2x128xf32, #tpu.memory_space<vmem>>, vector<1x2x128xf32>,
    return
  }
  func.func @transform_0(%arg0: i32) -> (i32, i32, i32) {
    %c0_i32 = arith.constant 0 : i32
    %c0_i32_0 = arith.constant 0 : i32
    %c0_i32_1 = arith.constant 0 : i32
    %c0_i32_2 = arith.constant 0 : i32
    return %c0_i32, %c0_i32_0, %c0_i32_1 : i32, i32, i32
  }
  func.func @transform_1(%arg0: i32) -> (i32, i32) {
    %c0_i32 = arith.constant 0 : i32
    %c0_i32_0 = arith.constant 0 : i32
    %c0_i32_1 = arith.constant 0 : i32
    return %c0_i32, %c0_i32_0 : i32, i32
  }
  func.func @transform_2(%arg0: i32) -> (i32, i32) {
    %c0_i32 = arith.constant 0 : i32
    %c0_i32_0 = arith.constant 0 : i32
    %c0_i32_1 = arith.constant 0 : i32
    return %c0_i32, %c0_i32_0 : i32, i32
  }
  func.func @transform_3(%arg0: i32) -> (i32, i32) {
    %c0_i32 = arith.constant 0 : i32
    %c0_i32_0 = arith.constant 0 : i32
    return %arg0, %c0_i32 : i32, i32
  }
  func.func @transform_4(%arg0: i32) -> (i32, i32, i32) {
    %c0_i32 = arith.constant 0 : i32
    %c0_i32_0 = arith.constant 0 : i32
    %c0_i32_1 = arith.constant 0 : i32
    return %arg0, %c0_i32, %c0_i32_0 : i32, i32, i32
  }
  func.func @transform_5(%arg0: i32) -> (i32, i32) {
    %c0_i32 = arith.constant 0 : i32
    %c0_i32_0 = arith.constant 0 : i32
    return %arg0, %c0_i32 : i32, i32
  }
  func.func @transform_6(%arg0: i32) -> (i32, i32, i32) {
    %c0_i32 = arith.constant 0 : i32
    %c0_i32_0 = arith.constant 0 : i32
    %c0_i32_1 = arith.constant 0 : i32
    %c0_i32_2 = arith.constant 0 : i32
    return %c0_i32, %c0_i32_0, %c0_i32_1 : i32, i32, i32
  }
  func.func @transform_7(%arg0: i32) -> (i32, i32) {
    %c0_i32 = arith.constant 0 : i32
    %c0_i32_0 = arith.constant 0 : i32
    %c0_i32_1 = arith.constant 0 : i32
    return %c0_i32, %c0_i32_0 : i32, i32
  }
  func.func @transform_8(%arg0: i32) -> (i32, i32) {
    %c0_i32 = arith.constant 0 : i32
    %c0_i32_0 = arith.constant 0 : i32
    %c0_i32_1 = arith.constant 0 : i32
    return %c0_i32, %c0_i32_0 : i32, i32
  }
  func.func @transform_9(%arg0: i32) -> (i32, i32) {
    %c0_i32 = arith.constant 0 : i32
    %c0_i32_0 = arith.constant 0 : i32
    %c0_i32_1 = arith.constant 0 : i32
    return %c0_i32, %c0_i32_0 : i32, i32
  }
  func.func @transform_10(%arg0: i32) -> (i32, i32) {
    %c0_i32 = arith.constant 0 : i32
    %c0_i32_0 = arith.constant 0 : i32
    %c0_i32_1 = arith.constant 0 : i32
    return %c0_i32, %c0_i32_0 : i32, i32
  }
  func.func @transform_11(%arg0: i32) -> (i32, i32) {
    %c0_i32 = arith.constant 0 : i32
    %c0_i32_0 = arith.constant 0 : i32
    return %arg0, %c0_i32 : i32, i32
  }
  func.func @transform_12(%arg0: i32) -> (i32, i32, i32) {
    %c0_i32 = arith.constant 0 : i32
    %c0_i32_0 = arith.constant 0 : i32
    %c0_i32_1 = arith.constant 0 : i32
    return %arg0, %c0_i32, %c0_i32_0 : i32, i32, i32
  }
}

module attributes {stable_mosaic.version = 14 : i64} {
  func.func @_passB_body(%arg0: i32, %arg1: memref<50x2x128xf32, #tpu.memory_space<vmem>>, %arg2: memref<1x128xf32, #tpu.memory_space<vmem>>, %arg3: memref<1x128xf32, #tpu.memory_space<vmem>>, %arg4: memref<1000x128xf32, #tpu.memory_space<vmem>>, %arg5: memref<128x128xf32, #tpu.memory_space<vmem>>, %arg6: memref<1x128xf32, #tpu.memory_space<vmem>>, %arg7: memref<128x128xf32, #tpu.memory_space<vmem>>, %arg8: memref<1x128xf32, #tpu.memory_space<vmem>>, %arg9: memref<1000x128xf32, #tpu.memory_space<vmem>>, %arg10: memref<1x2x128xf32, #tpu.memory_space<vmem>>, %arg11: memref<1x128xf32, #tpu.memory_space<vmem>>, %arg12: memref<1x128xf32, #tpu.memory_space<vmem>>) attributes {dimension_semantics = [#tpu.dimension_semantics<arbitrary>], iteration_bounds = array<i64: 50>, scalar_prefetch = 0 : i64, scratch_operands = 2 : i64, tpu.core_type = #tpu.core_type<tc>, window_params = [{pipeline_mode = #tpu.pipeline_mode<synchronous>, transform_indices = @transform_0, window_bounds = array<i64: 50, 2, 128>}, {pipeline_mode = #tpu.pipeline_mode<synchronous>, transform_indices = @transform_1, window_bounds = array<i64: 1, 128>}, {pipeline_mode = #tpu.pipeline_mode<synchronous>, transform_indices = @transform_2, window_bounds = array<i64: 1, 128>}, {transform_indices = @transform_3, window_bounds = array<i64: 1000, 128>}, {pipeline_mode = #tpu.pipeline_mode<synchronous>, transform_indices = @transform_4, window_bounds = array<i64: 128, 128>}, {pipeline_mode = #tpu.pipeline_mode<synchronous>, transform_indices = @transform_5, window_bounds = array<i64: 1, 128>}, {pipeline_mode = #tpu.pipeline_mode<synchronous>, transform_indices = @transform_6, window_bounds = array<i64: 128, 128>}, {pipeline_mode = #tpu.pipeline_mode<synchronous>, transform_indices = @transform_7, window_bounds = array<i64: 1, 128>}, {transform_indices = @transform_8, window_bounds = array<i64: 1000, 128>}, {transform_indices = @transform_9, window_bounds = array<i64: 1, 2, 128>}]} {
    %eq3A = arith.constant 0 : i32
    %eq3A_0 = arith.cmpi eq, %arg0, %eq3A : i32
    %convert_element_type3A = arith.extui %eq3A_0 : i1 to i32
    %cond3A = arith.constant 0 : i32
    %cond3A_1 = arith.cmpi ne, %convert_element_type3A, %cond3A : i32
    scf.if %cond3A_1 {
      %get3A_46 = arith.constant 0 : index
      %get3A_47 = arith.constant 0 : index
      %get3A_48 = arith.constant 0 : index
      %get3A_49 = vector.load %arg1[%get3A_46, %get3A_47, %get3A_48] : memref<50x2x128xf32, #tpu.memory_space<vmem>>, vector<50x2x128xf32>
      %get3A_50 = arith.constant 0 : index
      %get3A_51 = arith.constant 0 : index
      %get3A_52 = vector.load %arg2[%get3A_50, %get3A_51] : memref<1x128xf32, #tpu.memory_space<vmem>>, vector<1x128xf32>
      %get3A_53 = arith.constant 0 : index
      %get3A_54 = arith.constant 0 : index
      %get3A_55 = vector.load %arg3[%get3A_53, %get3A_54] : memref<1x128xf32, #tpu.memory_space<vmem>>, vector<1x128xf32>
      %reduce_sum3A_56 = arith.constant dense<0.000000e+00> : vector<2x128xf32>
      %reduce_sum3A_57 = vector.multi_reduction <add>, %get3A_49, %reduce_sum3A_56 [0] : vector<50x2x128xf32> to vector<2x128xf32>
      %slice3A = vector.extract_strided_slice %reduce_sum3A_57 {offsets = [0, 0], sizes = [1, 128], strides = [1, 1]} : vector<2x128xf32> to vector<1x128xf32>
      %div3A = arith.constant 5.000000e+04 : f32
      %div3A_58 = vector.broadcast %div3A : f32 to vector<1x128xf32>
      %div3A_59 = arith.divf %slice3A, %div3A_58 : vector<1x128xf32>
      %slice3A_60 = vector.extract_strided_slice %reduce_sum3A_57 {offsets = [1, 0], sizes = [1, 128], strides = [1, 1]} : vector<2x128xf32> to vector<1x128xf32>
      %div3A_61 = arith.constant 5.000000e+04 : f32
      %div3A_62 = vector.broadcast %div3A_61 : f32 to vector<1x128xf32>
      %div3A_63 = arith.divf %slice3A_60, %div3A_62 : vector<1x128xf32>
      %mul3A_64 = arith.mulf %div3A_59, %div3A_59 : vector<1x128xf32>
      %sub3A = arith.subf %div3A_63, %mul3A_64 : vector<1x128xf32>
      %add3A_65 = arith.constant 9.99999974E-6 : f32
      %add3A_66 = vector.broadcast %add3A_65 : f32 to vector<1x128xf32>
      %add3A_67 = arith.addf %sub3A, %add3A_66 : vector<1x128xf32>
      %rsqrt3A = math.rsqrt %add3A_67 : vector<1x128xf32>
      %mul3A_68 = arith.mulf %get3A_52, %rsqrt3A : vector<1x128xf32>
      %mul3A_69 = arith.mulf %div3A_59, %mul3A_68 : vector<1x128xf32>
      %sub3A_70 = arith.subf %get3A_55, %mul3A_69 : vector<1x128xf32>
      %swap3A_71 = arith.constant 0 : index
      %swap3A_72 = arith.constant 0 : index
      %swap3A_73 = vector.load %arg11[%swap3A_71, %swap3A_72] : memref<1x128xf32, #tpu.memory_space<vmem>>, vector<1x128xf32>
      tpu.vector_store %arg11[%swap3A_71, %swap3A_72], %mul3A_68 {strides = array<i32>} : memref<1x128xf32, #tpu.memory_space<vmem>>, vector<1x128xf32>,
      %swap3A_74 = arith.constant 0 : index
      %swap3A_75 = arith.constant 0 : index
      %swap3A_76 = vector.load %arg12[%swap3A_74, %swap3A_75] : memref<1x128xf32, #tpu.memory_space<vmem>>, vector<1x128xf32>
      tpu.vector_store %arg12[%swap3A_74, %swap3A_75], %sub3A_70 {strides = array<i32>} : memref<1x128xf32, #tpu.memory_space<vmem>>, vector<1x128xf32>,
    } else {
    }
    %get3A = arith.constant 0 : index
    %get3A_2 = arith.constant 0 : index
    %get3A_3 = vector.load %arg4[%get3A, %get3A_2] : memref<1000x128xf32, #tpu.memory_space<vmem>>, vector<1000x128xf32>
    %get3A_4 = arith.constant 0 : index
    %get3A_5 = arith.constant 0 : index
    %get3A_6 = vector.load %arg11[%get3A_4, %get3A_5] : memref<1x128xf32, #tpu.memory_space<vmem>>, vector<1x128xf32>
    %mul3A = vector.broadcast %get3A_6 : vector<1x128xf32> to vector<1000x128xf32>
    %mul3A_7 = arith.mulf %get3A_3, %mul3A : vector<1000x128xf32>
    %get3A_8 = arith.constant 0 : index
    %get3A_9 = arith.constant 0 : index
    %get3A_10 = vector.load %arg12[%get3A_8, %get3A_9] : memref<1x128xf32, #tpu.memory_space<vmem>>, vector<1x128xf32>
    %add3A = vector.broadcast %get3A_10 : vector<1x128xf32> to vector<1000x128xf32>
    %add3A_11 = arith.addf %mul3A_7, %add3A : vector<1000x128xf32>
    %get3A_12 = arith.constant 0 : index
    %get3A_13 = arith.constant 0 : index
    %get3A_14 = vector.load %arg5[%get3A_12, %get3A_13] : memref<128x128xf32, #tpu.memory_space<vmem>>, vector<128x128xf32>
    %dot_general3A = arith.constant dense<0.000000e+00> : vector<1000x128xf32>
    %dot_general3A_15 = tpu.matmul %add3A_11, %get3A_14, %dot_general3A {dimension_numbers = #tpu.dot_dimension_numbers<[1], [0], [0], [1], [0, 0, 1, 1], [], []>, transpose_lhs_hint = false} : vector<1000x128xf32>, vector<128x128xf32>, vector<1000x128xf32> -> vector<1000x128xf32>
    %get3A_16 = arith.constant 0 : index
    %get3A_17 = arith.constant 0 : index
    %get3A_18 = vector.load %arg6[%get3A_16, %get3A_17] : memref<1x128xf32, #tpu.memory_space<vmem>>, vector<1x128xf32>
    %add3A_19 = vector.broadcast %get3A_18 : vector<1x128xf32> to vector<1000x128xf32>
    %add3A_20 = arith.addf %dot_general3A_15, %add3A_19 : vector<1000x128xf32>
    %max3A = arith.constant 0.000000e+00 : f32
    %max3A_21 = vector.broadcast %max3A : f32 to vector<1000x128xf32>
    %max3A_22 = arith.maximumf %add3A_20, %max3A_21 : vector<1000x128xf32>
    %get3A_23 = arith.constant 0 : index
    %get3A_24 = arith.constant 0 : index
    %get3A_25 = vector.load %arg7[%get3A_23, %get3A_24] : memref<128x128xf32, #tpu.memory_space<vmem>>, vector<128x128xf32>
    %dot_general3A_26 = arith.constant dense<0.000000e+00> : vector<1000x128xf32>
    %dot_general3A_27 = tpu.matmul %max3A_22, %get3A_25, %dot_general3A_26 {dimension_numbers = #tpu.dot_dimension_numbers<[1], [0], [0], [1], [0, 0, 1, 1], [], []>, transpose_lhs_hint = false} : vector<1000x128xf32>, vector<128x128xf32>, vector<1000x128xf32> -> vector<1000x128xf32>
    %get3A_28 = arith.constant 0 : index
    %get3A_29 = arith.constant 0 : index
    %get3A_30 = vector.load %arg8[%get3A_28, %get3A_29] : memref<1x128xf32, #tpu.memory_space<vmem>>, vector<1x128xf32>
    %add3A_31 = vector.broadcast %get3A_30 : vector<1x128xf32> to vector<1000x128xf32>
    %add3A_32 = arith.addf %dot_general3A_27, %add3A_31 : vector<1000x128xf32>
    %add3A_33 = arith.addf %add3A_32, %add3A_11 : vector<1000x128xf32>
    %swap3A = arith.constant 0 : index
    %swap3A_34 = arith.constant 0 : index
    %swap3A_35 = vector.load %arg9[%swap3A, %swap3A_34] : memref<1000x128xf32, #tpu.memory_space<vmem>>, vector<1000x128xf32>
    tpu.vector_store %arg9[%swap3A, %swap3A_34], %add3A_33 {strides = array<i32>} : memref<1000x128xf32, #tpu.memory_space<vmem>>, vector<1000x128xf32>,
    %reduce_sum3A = arith.constant dense<0.000000e+00> : vector<128xf32>
    %reduce_sum3A_36 = vector.multi_reduction <add>, %add3A_33, %reduce_sum3A [0] : vector<1000x128xf32> to vector<128xf32>
    %broadcast_in_dim3A = vector.shape_cast %reduce_sum3A_36 : vector<128xf32> to vector<1x128xf32>
    %mul3A_37 = arith.mulf %add3A_33, %add3A_33 : vector<1000x128xf32>
    %reduce_sum3A_38 = arith.constant dense<0.000000e+00> : vector<128xf32>
    %reduce_sum3A_39 = vector.multi_reduction <add>, %mul3A_37, %reduce_sum3A_38 [0] : vector<1000x128xf32> to vector<128xf32>
    %broadcast_in_dim3A_40 = vector.shape_cast %reduce_sum3A_39 : vector<128xf32> to vector<1x128xf32>
    %concatenate3A = tpu.concatenate %broadcast_in_dim3A, %broadcast_in_dim3A_40 in 0 : vector<1x128xf32>, vector<1x128xf32> -> vector<2x128xf32>
    %broadcast_in_dim3A_41 = vector.shape_cast %concatenate3A : vector<2x128xf32> to vector<1x2x128xf32>
    %swap3A_42 = arith.constant 0 : index
    %swap3A_43 = arith.constant 0 : index
    %swap3A_44 = arith.constant 0 : index
    %swap3A_45 = vector.load %arg10[%swap3A_42, %swap3A_43, %swap3A_44] : memref<1x2x128xf32, #tpu.memory_space<vmem>>, vector<1x2x128xf32>
    tpu.vector_store %arg10[%swap3A_42, %swap3A_43, %swap3A_44], %broadcast_in_dim3A_41 {strides = array<i32>} : memref<1x2x128xf32, #tpu.memory_space<vmem>>, vector<1x2x128xf32>,
    return
  }
  func.func @transform_0(%arg0: i32) -> (i32, i32, i32) {
    %c0_i32 = arith.constant 0 : i32
    %c0_i32_0 = arith.constant 0 : i32
    %c0_i32_1 = arith.constant 0 : i32
    %c0_i32_2 = arith.constant 0 : i32
    return %c0_i32, %c0_i32_0, %c0_i32_1 : i32, i32, i32
  }
  func.func @transform_1(%arg0: i32) -> (i32, i32) {
    %c0_i32 = arith.constant 0 : i32
    %c0_i32_0 = arith.constant 0 : i32
    %c0_i32_1 = arith.constant 0 : i32
    return %c0_i32, %c0_i32_0 : i32, i32
  }
  func.func @transform_2(%arg0: i32) -> (i32, i32) {
    %c0_i32 = arith.constant 0 : i32
    %c0_i32_0 = arith.constant 0 : i32
    %c0_i32_1 = arith.constant 0 : i32
    return %c0_i32, %c0_i32_0 : i32, i32
  }
  func.func @transform_3(%arg0: i32) -> (i32, i32) {
    %c0_i32 = arith.constant 0 : i32
    %c0_i32_0 = arith.constant 0 : i32
    return %arg0, %c0_i32 : i32, i32
  }
  func.func @transform_4(%arg0: i32) -> (i32, i32) {
    %c0_i32 = arith.constant 0 : i32
    %c0_i32_0 = arith.constant 0 : i32
    %c0_i32_1 = arith.constant 0 : i32
    return %c0_i32, %c0_i32_0 : i32, i32
  }
  func.func @transform_5(%arg0: i32) -> (i32, i32) {
    %c0_i32 = arith.constant 0 : i32
    %c0_i32_0 = arith.constant 0 : i32
    %c0_i32_1 = arith.constant 0 : i32
    return %c0_i32, %c0_i32_0 : i32, i32
  }
  func.func @transform_6(%arg0: i32) -> (i32, i32) {
    %c0_i32 = arith.constant 0 : i32
    %c0_i32_0 = arith.constant 0 : i32
    %c0_i32_1 = arith.constant 0 : i32
    return %c0_i32, %c0_i32_0 : i32, i32
  }
  func.func @transform_7(%arg0: i32) -> (i32, i32) {
    %c0_i32 = arith.constant 0 : i32
    %c0_i32_0 = arith.constant 0 : i32
    %c0_i32_1 = arith.constant 0 : i32
    return %c0_i32, %c0_i32_0 : i32, i32
  }
  func.func @transform_8(%arg0: i32) -> (i32, i32) {
    %c0_i32 = arith.constant 0 : i32
    %c0_i32_0 = arith.constant 0 : i32
    return %arg0, %c0_i32 : i32, i32
  }
  func.func @transform_9(%arg0: i32) -> (i32, i32, i32) {
    %c0_i32 = arith.constant 0 : i32
    %c0_i32_0 = arith.constant 0 : i32
    %c0_i32_1 = arith.constant 0 : i32
    return %arg0, %c0_i32, %c0_i32_0 : i32, i32, i32
  }
}

module attributes {stable_mosaic.version = 14 : i64} {
  func.func @_final_body(%arg0: i32, %arg1: memref<50x2x128xf32, #tpu.memory_space<vmem>>, %arg2: memref<1x128xf32, #tpu.memory_space<vmem>>, %arg3: memref<1x128xf32, #tpu.memory_space<vmem>>, %arg4: memref<1000x128xf32, #tpu.memory_space<vmem>>, %arg5: memref<1000x128xf32, #tpu.memory_space<vmem>>, %arg6: memref<1x128xf32, #tpu.memory_space<vmem>>, %arg7: memref<1x128xf32, #tpu.memory_space<vmem>>) attributes {dimension_semantics = [#tpu.dimension_semantics<arbitrary>], iteration_bounds = array<i64: 50>, scalar_prefetch = 0 : i64, scratch_operands = 2 : i64, tpu.core_type = #tpu.core_type<tc>, window_params = [{pipeline_mode = #tpu.pipeline_mode<synchronous>, transform_indices = @transform_0, window_bounds = array<i64: 50, 2, 128>}, {pipeline_mode = #tpu.pipeline_mode<synchronous>, transform_indices = @transform_1, window_bounds = array<i64: 1, 128>}, {pipeline_mode = #tpu.pipeline_mode<synchronous>, transform_indices = @transform_2, window_bounds = array<i64: 1, 128>}, {transform_indices = @transform_3, window_bounds = array<i64: 1000, 128>}, {transform_indices = @transform_4, window_bounds = array<i64: 1000, 128>}]} {
    %eq3A = arith.constant 0 : i32
    %eq3A_0 = arith.cmpi eq, %arg0, %eq3A : i32
    %convert_element_type3A = arith.extui %eq3A_0 : i1 to i32
    %cond3A = arith.constant 0 : i32
    %cond3A_1 = arith.cmpi ne, %convert_element_type3A, %cond3A : i32
    scf.if %cond3A_1 {
      %get3A_14 = arith.constant 0 : index
      %get3A_15 = arith.constant 0 : index
      %get3A_16 = arith.constant 0 : index
      %get3A_17 = vector.load %arg1[%get3A_14, %get3A_15, %get3A_16] : memref<50x2x128xf32, #tpu.memory_space<vmem>>, vector<50x2x128xf32>
      %get3A_18 = arith.constant 0 : index
      %get3A_19 = arith.constant 0 : index
      %get3A_20 = vector.load %arg2[%get3A_18, %get3A_19] : memref<1x128xf32, #tpu.memory_space<vmem>>, vector<1x128xf32>
      %get3A_21 = arith.constant 0 : index
      %get3A_22 = arith.constant 0 : index
      %get3A_23 = vector.load %arg3[%get3A_21, %get3A_22] : memref<1x128xf32, #tpu.memory_space<vmem>>, vector<1x128xf32>
      %reduce_sum3A = arith.constant dense<0.000000e+00> : vector<2x128xf32>
      %reduce_sum3A_24 = vector.multi_reduction <add>, %get3A_17, %reduce_sum3A [0] : vector<50x2x128xf32> to vector<2x128xf32>
      %slice3A = vector.extract_strided_slice %reduce_sum3A_24 {offsets = [0, 0], sizes = [1, 128], strides = [1, 1]} : vector<2x128xf32> to vector<1x128xf32>
      %div3A = arith.constant 5.000000e+04 : f32
      %div3A_25 = vector.broadcast %div3A : f32 to vector<1x128xf32>
      %div3A_26 = arith.divf %slice3A, %div3A_25 : vector<1x128xf32>
      %slice3A_27 = vector.extract_strided_slice %reduce_sum3A_24 {offsets = [1, 0], sizes = [1, 128], strides = [1, 1]} : vector<2x128xf32> to vector<1x128xf32>
      %div3A_28 = arith.constant 5.000000e+04 : f32
      %div3A_29 = vector.broadcast %div3A_28 : f32 to vector<1x128xf32>
      %div3A_30 = arith.divf %slice3A_27, %div3A_29 : vector<1x128xf32>
      %mul3A_31 = arith.mulf %div3A_26, %div3A_26 : vector<1x128xf32>
      %sub3A = arith.subf %div3A_30, %mul3A_31 : vector<1x128xf32>
      %add3A_32 = arith.constant 9.99999974E-6 : f32
      %add3A_33 = vector.broadcast %add3A_32 : f32 to vector<1x128xf32>
      %add3A_34 = arith.addf %sub3A, %add3A_33 : vector<1x128xf32>
      %rsqrt3A = math.rsqrt %add3A_34 : vector<1x128xf32>
      %mul3A_35 = arith.mulf %get3A_20, %rsqrt3A : vector<1x128xf32>
      %mul3A_36 = arith.mulf %div3A_26, %mul3A_35 : vector<1x128xf32>
      %sub3A_37 = arith.subf %get3A_23, %mul3A_36 : vector<1x128xf32>
      %swap3A_38 = arith.constant 0 : index
      %swap3A_39 = arith.constant 0 : index
      %swap3A_40 = vector.load %arg6[%swap3A_38, %swap3A_39] : memref<1x128xf32, #tpu.memory_space<vmem>>, vector<1x128xf32>
      tpu.vector_store %arg6[%swap3A_38, %swap3A_39], %mul3A_35 {strides = array<i32>} : memref<1x128xf32, #tpu.memory_space<vmem>>, vector<1x128xf32>,
      %swap3A_41 = arith.constant 0 : index
      %swap3A_42 = arith.constant 0 : index
      %swap3A_43 = vector.load %arg7[%swap3A_41, %swap3A_42] : memref<1x128xf32, #tpu.memory_space<vmem>>, vector<1x128xf32>
      tpu.vector_store %arg7[%swap3A_41, %swap3A_42], %sub3A_37 {strides = array<i32>} : memref<1x128xf32, #tpu.memory_space<vmem>>, vector<1x128xf32>,
    } else {
    }
    %get3A = arith.constant 0 : index
    %get3A_2 = arith.constant 0 : index
    %get3A_3 = vector.load %arg4[%get3A, %get3A_2] : memref<1000x128xf32, #tpu.memory_space<vmem>>, vector<1000x128xf32>
    %get3A_4 = arith.constant 0 : index
    %get3A_5 = arith.constant 0 : index
    %get3A_6 = vector.load %arg6[%get3A_4, %get3A_5] : memref<1x128xf32, #tpu.memory_space<vmem>>, vector<1x128xf32>
    %mul3A = vector.broadcast %get3A_6 : vector<1x128xf32> to vector<1000x128xf32>
    %mul3A_7 = arith.mulf %get3A_3, %mul3A : vector<1000x128xf32>
    %get3A_8 = arith.constant 0 : index
    %get3A_9 = arith.constant 0 : index
    %get3A_10 = vector.load %arg7[%get3A_8, %get3A_9] : memref<1x128xf32, #tpu.memory_space<vmem>>, vector<1x128xf32>
    %add3A = vector.broadcast %get3A_10 : vector<1x128xf32> to vector<1000x128xf32>
    %add3A_11 = arith.addf %mul3A_7, %add3A : vector<1000x128xf32>
    %swap3A = arith.constant 0 : index
    %swap3A_12 = arith.constant 0 : index
    %swap3A_13 = vector.load %arg5[%swap3A, %swap3A_12] : memref<1000x128xf32, #tpu.memory_space<vmem>>, vector<1000x128xf32>
    tpu.vector_store %arg5[%swap3A, %swap3A_12], %add3A_11 {strides = array<i32>} : memref<1000x128xf32, #tpu.memory_space<vmem>>, vector<1000x128xf32>,
    return
  }
  func.func @transform_0(%arg0: i32) -> (i32, i32, i32) {
    %c0_i32 = arith.constant 0 : i32
    %c0_i32_0 = arith.constant 0 : i32
    %c0_i32_1 = arith.constant 0 : i32
    %c0_i32_2 = arith.constant 0 : i32
    return %c0_i32, %c0_i32_0, %c0_i32_1 : i32, i32, i32
  }
  func.func @transform_1(%arg0: i32) -> (i32, i32) {
    %c0_i32 = arith.constant 0 : i32
    %c0_i32_0 = arith.constant 0 : i32
    %c0_i32_1 = arith.constant 0 : i32
    return %c0_i32, %c0_i32_0 : i32, i32
  }
  func.func @transform_2(%arg0: i32) -> (i32, i32) {
    %c0_i32 = arith.constant 0 : i32
    %c0_i32_0 = arith.constant 0 : i32
    %c0_i32_1 = arith.constant 0 : i32
    return %c0_i32, %c0_i32_0 : i32, i32
  }
  func.func @transform_3(%arg0: i32) -> (i32, i32) {
    %c0_i32 = arith.constant 0 : i32
    %c0_i32_0 = arith.constant 0 : i32
    return %arg0, %c0_i32 : i32, i32
  }
  func.func @transform_4(%arg0: i32) -> (i32, i32) {
    %c0_i32 = arith.constant 0 : i32
    %c0_i32_0 = arith.constant 0 : i32
    return %arg0, %c0_i32 : i32, i32
  }
}

</mosaic_0001>

<sc_bundles>
// kernel: kernel.13.cloned.1.call-start
scs
__scs_entry_jumppad:
0x0: {  	(pc) =	sbr.rel $0x88, $3  }
0x1: {  	(tag) =	ssettag $0x0;
	lr =	simm.s32 $0x1  }
0x2: {  	[smem:$0x3F8F] =	sst lr;
	_ =	strace $0xD0000000  }
0x3: {  	_ = 	snop  }
0x4: {  	_ = 	snop  }
0x5: {  	_ = 	snop  }
0x6: {  	_ = 	snop  }
0x7: {  	_ = 	snop  }
__scs_overlays_trampoline_lowered:
0x8: {  	[smem:$0x3F9E] =	sst s0  }
0x9: {  	[smem:$0x3F9F] =	sst s1  }
0xa: {  	[smem:$0x3FA0] =	sst s2  }
0xb: {  	[smem:$0x3FA1] =	sst s3  }
0xc: {  	[smem:$0x3FA2] =	sst s4  }
0xd: {  	[smem:$0x3FA3] =	sst s5  }
0xe: {  	[smem:$0x3FA4] =	sst s6  }
0xf: {  	[smem:$0x3FA5] =	sst s7  }
0x10: {  	[smem:$0x3FA6] =	sst s8  }
0x11: {  	[smem:$0x3FA7] =	sst s9;
	s0 =	simm.s32 @!p0 $0x0  }
0x12: {  	s1 =	sld [smem:$0x3F8D];
	s0 =	simm.s32 @p0 $0x1  }
0x13: {  	[smem:$0x3FA8] =	sst s0;
	s0 =	simm.s32 @!p1 $0x0  }
0x14: {  	s2 =	sld [smem:$0x3F8C];
	s0 =	simm.s32 @p1 $0x1  }
0x15: {  	[smem:$0x3FA9] =	sst s0;
	s0 =	simm.s32 @!p2 $0x0  }
0x16: {  	s3 =	sld [smem:$0x3FDB];
	s0 =	simm.s32 @p2 $0x1  }
0x17: {  	s4 =	simm.s32 $0x1BF5;
	[smem:$0x3FAB] =	sst s0  }
0x18: {  	s0 =	sld [smem:$0x3F8E];
	_ =	swait.ge [sflag:s4], $0x0  }
0x19: {  	s7 =	sld [smem:$0x3F8F]  }
0x1a: {  	s8 =	sadd.s32 $0xFFFFE003, lr  }
0x1b: {  	s9 =	sadd.s32 $0xFFFFFEF7, lr;
	s5 =	simm.s32 $0xFFFFFFFF;
	p2 =	slt.u32 s8, $0xFFFFF086  }
0x1c: {  	p1 =	slt.u32 s9, $0xF7A;
	s5 =	simm.s32 @!p2 $0x0  }
0x1d: {  	s5 =	simm.s32 @p1 $0x1;
	p0 =	seq.s32 s7, s2  }
0x1e: {  	s7 =	smul.u32 @!p0 $0xF7A, s2;
	p2 =	seq.s32 @!p0 s5, $0x0  }
0x1f: {  	s9 =	smul.u32 $0xF7A, s1;
	s8 =	simm.s32 @!p0 $0x1BF5;
	p2 =	por !p2, p0  }
0x20: {  	[sflag:s8] =	ssyncset.s32 @!p0 $0xFFFFF086;
	s6 =	sadd.s32 @!p0 s3, s7;
	s7 =	simm.s32 @!p0 $0x108  }
0x21: {  	s3 =	sadd.s32 s3, s9;
	s6 =	sadd.s32 @!p0 $0x88, s6;
	s7 =	simm.s32 @p2 $0x1082  }
0x22: {  	[simem:s7], [sflag:s8] =	dma.local @!p0 [hbm:s6], $0xF7A  }
0x23: {  	s9 =	sor.u32 $0xD0000000, s2;
	s6 =	simm.s32 $0x108;
	_ =	swait.ge @!p0 [sflag:s8], $0x0  }
0x24: {  	s3 =	sadd.s32 $0x88, s3;
	s6 =	simm.s32 @!p1 $0x1082;
	[sflag:s4] =	ssyncset.s32 $0xFFFFF086  }
0x25: {  	[simem:s6], [sflag:s4] =	dma.local [hbm:s3], $0xF7A  }
0x26: {  	[smem:$0x3F8F] =	sst s1;
	(tag) =	ssettag s2;
	_ =	strace s9  }
0x27: {  	s1 =	sld [smem:$0x3F9F]  }
0x28: {  	s2 =	sld [smem:$0x3FA0]  }
0x29: {  	s4 =	sld [smem:$0x3FA2]  }
0x2a: {  	p0 =	seq.s32 s5, $0x0;
	s5 =	sld [smem:$0x3FA3]  }
0x2b: {  	s6 =	sld [smem:$0x3FA4]  }
0x2c: {  	s7 =	sld [smem:$0x3FA5]  }
0x2d: {  	s3 =	simm.s32 $0x108;
	s8 =	sld [smem:$0x3FA6]  }
0x2e: {  	s3 =	simm.s32 @!p0 $0x1082;
	s9 =	sld [smem:$0x3FA7]  }
0x2f: {  	lr =	sadd.s32 s0, s3;
	s0 =	sld [smem:$0x3F9E]  }
0x30: {  	s3 =	sld [smem:$0x3FA1]  }
0x31: {  	[smem:$0x3FAA] =	sst s10  }
0x32: {  	s10 =	sld [smem:$0x3FA8];
	_ =	sdelay $0x3  }
0x33: {  	p0 =	seq.s32 s10, $0x1;
	s10 =	sld [smem:$0x3FAA];
	_ =	sdelay $0x3  }
0x34: {  	[smem:$0x3FAA] =	sst s10  }
0x35: {  	s10 =	sld [smem:$0x3FA9];
	_ =	sdelay $0x3  }
0x36: {  	p1 =	seq.s32 s10, $0x1;
	s10 =	sld [smem:$0x3FAA];
	_ =	sdelay $0x3  }
0x37: {  	[smem:$0x3FAA] =	sst s10  }
0x38: {  	s10 =	sld [smem:$0x3FAB]  }
0x39: {  	_ = 	snop;
	(pc) =	sbr.ind lr, $3  }
0x3a: {  	_ = 	snop  }
0x3b: {  	_ = 	snop  }
0x3c: {  	p2 =	seq.s32 s10, $0x1;
	s10 =	sld [smem:$0x3FAA]  }
0x3d: {  	_ =	shalt  }
0x3e: {  	_ =	shalt  }
0x3f: {  	_ =	shalt  }
0x40: {  	_ =	shalt  }
0x41: {  	_ =	shalt  }
0x42: {  	_ =	shalt  }
0x43: {  	_ =	shalt  }
0x44: {  	_ =	shalt  }
0x45: {  	_ =	shalt  }
0x46: {  	_ =	shalt  }
0x47: {  	_ =	shalt  }
0x48: {  	_ =	shalt  }
0x49: {  	_ =	shalt  }
0x4a: {  	_ =	shalt  }
0x4b: {  	_ =	shalt  }
0x4c: {  	_ =	shalt  }
0x4d: {  	_ =	shalt  }
0x4e: {  	_ =	shalt  }
0x4f: {  	_ =	shalt  }
0x50: {  	_ =	shalt  }
0x51: {  	_ =	shalt  }
0x52: {  	_ =	shalt  }
0x53: {  	_ =	shalt  }
0x54: {  	_ =	shalt  }
0x55: {  	_ =	shalt  }
0x56: {  	_ =	shalt  }
0x57: {  	_ =	shalt  }
0x58: {  	_ =	shalt  }
0x59: {  	_ =	shalt  }
0x5a: {  	_ =	shalt  }
0x5b: {  	_ =	shalt  }
0x5c: {  	_ =	shalt  }
0x5d: {  	_ =	shalt  }
0x5e: {  	_ =	shalt  }
0x5f: {  	_ =	shalt  }
0x60: {  	_ =	shalt  }
0x61: {  	_ =	shalt  }
0x62: {  	_ =	shalt  }
0x63: {  	_ =	shalt  }
0x64: {  	_ =	shalt  }
0x65: {  	_ =	shalt  }
0x66: {  	_ =	shalt  }
0x67: {  	_ =	shalt  }
0x68: {  	_ =	shalt  }
0x69: {  	_ =	shalt  }
0x6a: {  	_ =	shalt  }
0x6b: {  	_ =	shalt  }
0x6c: {  	_ =	shalt  }
0x6d: {  	_ =	shalt  }
0x6e: {  	_ =	shalt  }
0x6f: {  	_ =	shalt  }
0x70: {  	_ =	shalt  }
0x71: {  	_ =	shalt  }
0x72: {  	_ =	shalt  }
0x73: {  	_ =	shalt  }
0x74: {  	_ =	shalt  }
0x75: {  	_ =	shalt  }
0x76: {  	_ =	shalt  }
0x77: {  	_ =	shalt  }
0x78: {  	_ =	shalt  }
0x79: {  	_ =	shalt  }
0x7a: {  	_ =	shalt  }
0x7b: {  	_ =	shalt  }
0x7c: {  	_ =	shalt  }
0x7d: {  	_ =	shalt  }
0x7e: {  	_ =	shalt  }
0x7f: {  	_ =	shalt  }
0x80: {  	_ =	shalt  }
0x81: {  	_ =	shalt  }
0x82: {  	_ =	shalt  }
0x83: {  	_ =	shalt  }
0x84: {  	_ =	shalt  }
0x85: {  	_ =	shalt  }
0x86: {  	_ =	shalt  }
0x87: {  	_ =	shalt  }
.Lfunc_end0:
.L_simem_size_0:
called_computation_lowered:
.L_overlay_start_0:
0x88: {  	s2 =	sld [smem:$0x3FD9]  }
0x89: {  	s3 =	sld [smem:$0x3FFE];
	_ =	sdelay $0x1  }
0x8a: {  	s1 =	srdreg.scid  }
0x8b: {  	s0 =	sand.u32 $0x1, s1  }
0x8c: {  	s16 =	sshll.u32 s0, $0xA;
	s2 =	sadd.s32 s3, s2  }
0x8d: {  	s2 =	sadd.s32 s2, s16  }
0x8e: {  	[smem:$0x3FB6] =	sst s2  }
0x8f: {  	_ = 	snop  }
0x90: {  	(tm) =	ssettm $0x1  }
0x91: {  	s17 =	sld [smem:$0x3FFB];
	_ =	sdelay $0x3  }
0x92: {  	_ =	strace s17  }
0x93: {  	s2 =	sld [smem:$0x3FFC];
	_ =	sdelay $0x3  }
0x94: {  	_ =	strace s2  }
0x95: {  	s2 =	sld [smem:$0x3FFD];
	_ =	sdelay $0x3  }
0x96: {  	_ =	strace s2  }
0x97: {  	_ =	strace $0x8FFFFFFF  }
0x98: {  	s18 =	sld [smem:$0x3FDB];
	_ =	sdelay $0x1  }
0x99: {  	s19 =	simm.s32 $_scs_section_size  }
0x9a: {  	s4 =	simm.s32 $_size__tile_overlayer_lowered;
	s5 =	simm.s32 $_tile_overlayer_lowered  }
0x9b: {  	s22 =	simm.s32 $0x1BFF;
	s21 =	sshll.u32 s5, $0x1;
	s2 =	sadd.s32 s19, s18  }
0x9c: {  	s6 =	simm.s32 $0x0;
	s20 =	sshll.u32 s4, $0x1;
	s4 =	sadd.s32 s21, s2  }
0x9d: {  	[timem:s6], [sflag:s22] =	dma.local [hbm:s4], s20  }
0x9e: {  	_ =	swait.ge [sflag:s22], s20  }
0x9f: {  	s3 =	ssub.s32 $0x0, s20;
	[sflag:s22] =	ssyncset.done $0x0  }
0xa0: {  	[sflag:s22] =	ssyncadd.s32 s3;
	_ =	sdelay $0x1  }
0xa1: {  	s23 =	simm.s32 $0x1B8B  }
0xa2: {  	_ =	swait.ge [sflag:s23], $0x1  }
0xa3: {  	[sflag:s23] =	ssyncset.done $0x0  }
0xa4: {  	s25 =	simm.s32 $0x1B8E;
	s24 =	sld [smem:$0x3FFE];
	[sflag:s23] =	ssyncadd.s32 $0xFFFFFFFF  }
0xa5: {  	s26 =	simm.s32 $execute0_lowered;
	[smem:$0x3FD2] =	sst s25  }
0xa6: {  	s4 =	sshll.u32 s26, $0x1;
	_ =	strace $0x80000046;
	[dreg:$0x1] =	wrdreg $0xFFFFFFFF  }
0xa7: {  	s28 =	simm.s32 $_size_execute0_lowered;
	s2 =	sadd.s32 s2, s4;
	[dreg:$0x0] =	wrdreg $0x0  }
0xa8: {  	s4 =	sshll.u32 s28, $0x1;
	[dreg:$0x2] =	wrdreg s2  }
0xa9: {  	[dreg:$0x3] =	wrdreg s4  }
0xaa: {  	[dreg:$0x4] =	wrdreg $0xC0  }
0xab: {  	_ =	task [dreg:s6], $0x5FFFF  }
0xac: {  	[dreg:$0x1] =	wrdreg $0xFFFFFFFF  }
0xad: {  	[dreg:$0x0] =	wrdreg $0x60  }
0xae: {  	[dreg:$0x2] =	wrdreg s24  }
0xaf: {  	[dreg:$0x3] =	wrdreg $0x9  }
0xb0: {  	_ =	task.clear_ibuf [dreg:s6], $0x4FFFF;
	_ =	strace $0x90000046  }
0xb1: {  	s29 =	simm.s32 $0x9;
	_ =	strace $0x80000048  }
0xb2: {  	_ =	swait.ge [sflag:s29], $0x1  }
0xb3: {  	[sflag:s29] =	ssyncadd.s32 $0xFFFFFFFF  }
0xb4: {  	_ =	strace $0x90000048  }
0xb5: {  	_ =	sfence  }
0xb6: {  	s30 =	sld [smem:$0x0];
	_ =	sdelay $0x2  }
0xb7: {  	s31 =	sshll.u32 s1, $0xD;
	s1 =	sshrl.u32 s1, $0x2  }
0xb8: {  	s3 =	sand.u32 $0x4000, s31;
	s1 =	sadd.s32 s1, s30  }
0xb9: {  	s0 =	sor.u32 s3, s0;
	s1 =	sshll.u32 s1, $0x11  }
0xba: {  	s0 =	sor.u32 s1, s0  }
0xbb: {  	s0 =	sadd.s32 $0x8F2B, s0  }
0xbc: {  	[sflag:s0] =	ssyncadd.remote.s32 $0x1  }
0xbd: {  	_ =	sfence.sel $0xFFFF  }
0xbe: {  	[dreg:$0x0] =	wrdreg $0xFFFFFFFF;
	(pc) =	sbr.abs _section_cstart, $3  }
0xbf: {  	[dreg:$0x1] =	wrdreg $0xFFFFFFFF  }
0xc0: {  	_ =	task.clear_ibuf [dreg:s6], $0x2FFFF;
	_ =	strace $0x9FFFFFFF  }
0xc1: {  	(tm) =	ssettm $0x7FFFFFFF  }
tec
execute0_lowered:
.L_overlay_start_1:
0x0: {  	(tag) =	ssettag $0x1  }
0x1: {  	s5 =	rddreg [dreg:$0x0]  }
0x2: {  	s0 =	stileid.u32;
	s2 =	srdreg.scid  }
0x3: {  	s1 =	rddreg [dreg:$0x1];
	s9 =	simm.s32 $0x80;
	s10 =	simm.s32 $0x200  }
0x4: {  	s11 =	simm.s32 $0x4200;
	s12 =	simm.s32 $0x100;
	s13 =	simm.s32 $0x8200  }
0x5: {  	s14 =	simm.s32 $0x180;
	s15 =	simm.s32 $0xC200;
	s16 =	simm.s32 $0x1  }
0x6: {  	s17 =	simm.s32 $0x0;
	s3 =	smul.u32 $0x2A, s0;
	s4 =	sand.u32 $0x1, s2  }
0x7: {  	s6 =	smul.u32 $0xD, s0;
	s2 =	simm.s32 $0x0;
	p0 =	seq.s32 s4, $0x0  }
0x8: {  	[smem:$0x7FF] =	sst s2;
	s4 =	ssub.s32 $0x2, s4;
	s7 =	sadd.s32 $0xD0, s3  }
0x9: {  	_ =	strace $0x80000047;
	s3 =	sadd.s32 $0x16C00, s5;
	s7 =	smov.u32 @p0 s6  }
0xa: {  	s31 =	sshrl.u32 s4, $0x1;
	s6 =	sshll.u32 s7, $0x6;
	s7 =	sshll.u32 s7, $0xD  }
0xb: {  	s8 =	sadd.s32 s6, s5;
	s6 =	ssub.s32 s4, s31;
	s4 =	simm.s32 $0xD  }
0xc: {  	s7 =	sadd.s32 s7, s5;
	s4 =	simm.s32 @!p0 $0x2A;
	s5 =	smax.u32 s6, $0x1  }
0xd: {  	s6 =	sadd.s32 $0xDA200, s7;
	s7 =	sadd.s32 $0x9000, s8;
	s8 =	simm.s32 $0x2  }
.LBB2_1:
0xe: {  	[tilespmem:s2], [sflag:$0x2] =	stream.linear.gather [hbm4b:s7+s2], $0x200, $0x38;
	[tilespmem:$0x10200] =	vst v63  }
0xf: {  	_ =	swait.ge [sflag:s8], $0x200  }
0x10: {  	[sflag:s8] =	ssyncset.done $0x0  }
0x11: {  	[sflag:s8] =	ssyncadd.s32 $0xFFFFFE00  }
0x12: {  	[tilespmem:s10], [sflag:$0x1] =	stream.indirect.gather [hbm4b:s3+s9], $0x80, s2, s9, $0xb8;
	[tilespmem:$0x10200] =	vst v63  }
0x13: {  	_ = 	snop  }
0x14: {  	[tilespmem:s11], [sflag:$0x1] =	stream.indirect.gather [hbm4b:s3+s9], $0x80, s9, s9, $0xb8;
	[tilespmem:$0x10200] =	vst v63  }
0x15: {  	_ = 	snop  }
0x16: {  	[tilespmem:s13], [sflag:$0x1] =	stream.indirect.gather [hbm4b:s3+s9], $0x80, s12, s9, $0xb8;
	[tilespmem:$0x10200] =	vst v63  }
0x17: {  	_ = 	snop  }
0x18: {  	[tilespmem:s15], [sflag:$0x1] =	stream.indirect.gather [hbm4b:s3+s9], $0x80, s14, s9, $0xb8;
	[tilespmem:$0x10200] =	vst v63  }
0x19: {  	_ =	swait.ge [sflag:s16], $0x4000  }
0x1a: {  	[sflag:s16] =	ssyncset.done $0x0  }
0x1b: {  	[sflag:s16] =	ssyncadd.s32 $0xFFFFC000  }
0x1c: {  	_ =	swait.ge [sflag:s16], $0x4000  }
0x1d: {  	[sflag:s16] =	ssyncset.done $0x0  }
0x1e: {  	[sflag:s16] =	ssyncadd.s32 $0xFFFFC000  }
0x1f: {  	_ =	swait.ge [sflag:s16], $0x4000  }
0x20: {  	[sflag:s16] =	ssyncset.done $0x0  }
0x21: {  	[sflag:s16] =	ssyncadd.s32 $0xFFFFC000  }
0x22: {  	p0 =	sne.s32 s4, $0x1;
	_ =	swait.ge [sflag:s16], $0x4000  }
.Ltmp0:
0x23: {  	[sflag:s16] =	ssyncset.done $0x0;
	(pc) =	sbr.rel @!p0 .LBB2_3-.Ltmp0, $4  }
0x24: {  	[sflag:s16] =	ssyncadd.s32 $0xFFFFC000  }
0x25: {  	[hbm4b:s6+s2] =	stream.linear.scatter [tilespmem:s10], [sflag:$0x2], $0x10000, $0x38;
	[tilespmem:$0x10200] =	vst v63  }
0x26: {  	s18 =	sadd.s32 $0xFFFFFFFF, s4;
	_ =	swait.ge [sflag:s8], $0x10000  }
0x27: {  	s19 =	smov.u32 s6;
	s20 =	smov.u32 s7;
	[sflag:s8] =	ssyncset.done $0x0  }
.LBB2_2:
0x28: {  	[sflag:s8] =	ssyncadd.s32 $0xFFFF0000;
	s19 =	sadd.s32 $0x2000, s19;
	s20 =	sadd.s32 $0x40, s20  }
0x29: {  	[tilespmem:s2], [sflag:$0x2] =	stream.linear.gather [hbm4b:s20+s2], $0x200, $0x38;
	[tilespmem:$0x10200] =	vst v63  }
0x2a: {  	p0 =	sne.s32 s18, $0x1;
	s18 =	sadd.s32 $0xFFFFFFFF, s18;
	_ =	swait.ge [sflag:s8], $0x200  }
0x2b: {  	[sflag:s8] =	ssyncset.done $0x0  }
0x2c: {  	[sflag:s8] =	ssyncadd.s32 $0xFFFFFE00  }
0x2d: {  	[tilespmem:s10], [sflag:$0x1] =	stream.indirect.gather [hbm4b:s3+s9], $0x80, s2, s9, $0xb8;
	[tilespmem:$0x10200] =	vst v63  }
0x2e: {  	_ = 	snop  }
0x2f: {  	[tilespmem:s11], [sflag:$0x1] =	stream.indirect.gather [hbm4b:s3+s9], $0x80, s9, s9, $0xb8;
	[tilespmem:$0x10200] =	vst v63  }
0x30: {  	_ = 	snop  }
0x31: {  	[tilespmem:s13], [sflag:$0x1] =	stream.indirect.gather [hbm4b:s3+s9], $0x80, s12, s9, $0xb8;
	[tilespmem:$0x10200] =	vst v63  }
0x32: {  	_ = 	snop  }
0x33: {  	[tilespmem:s15], [sflag:$0x1] =	stream.indirect.gather [hbm4b:s3+s9], $0x80, s14, s9, $0xb8;
	[tilespmem:$0x10200] =	vst v63  }
0x34: {  	_ =	swait.ge [sflag:s16], $0x4000  }
0x35: {  	[sflag:s16] =	ssyncset.done $0x0  }
0x36: {  	[sflag:s16] =	ssyncadd.s32 $0xFFFFC000  }
0x37: {  	_ =	swait.ge [sflag:s16], $0x4000  }
0x38: {  	[sflag:s16] =	ssyncset.done $0x0  }
0x39: {  	[sflag:s16] =	ssyncadd.s32 $0xFFFFC000  }
0x3a: {  	_ =	swait.ge [sflag:s16], $0x4000  }
0x3b: {  	[sflag:s16] =	ssyncset.done $0x0  }
0x3c: {  	[sflag:s16] =	ssyncadd.s32 $0xFFFFC000  }
0x3d: {  	_ =	swait.ge [sflag:s16], $0x4000  }
.Ltmp1:
0x3e: {  	[sflag:s16] =	ssyncset.done $0x0;
	(pc) =	sbr.rel @p0 .LBB2_2-.Ltmp1, $4  }
0x3f: {  	[sflag:s16] =	ssyncadd.s32 $0xFFFFC000  }
0x40: {  	[hbm4b:s19+s2] =	stream.linear.scatter [tilespmem:s10], [sflag:$0x2], $0x10000, $0x38;
	[tilespmem:$0x10200] =	vst v63  }
0x41: {  	_ =	swait.ge [sflag:s8], $0x10000  }
0x42: {  	[sflag:s8] =	ssyncset.done $0x0  }
.LBB2_3:
0x43: {  	s17 =	sadd.s32 $0x1, s17  }
0x44: {  	p0 =	sne.s32 s17, s5  }
.Ltmp2:
0x45: {  	_ = 	snop;
	(pc) =	sbr.rel @p0 .LBB2_1-.Ltmp2, $2  }
0x46: {  	_ =	sdelay $0x2  }
0x47: {  	[sflag:s8] =	ssyncadd.s32 $0xFFFF0000  }
0x48: {  	_ =	sfence.sel $0x180000  }
0x49: {  	[bflag:$0x0] =	sbarrier.arrive $0xFFFF  }
0x4a: {  	p0 =	sne.s32 s0, $0x0;
	_ =	strace $0x90000047  }
0x4b: {  	s0 =	sadd.s32 @!p0 $0x100000, s1;
	[bflag:$0x2] =	sbarrier.arrive $0xFFFF  }
0x4c: {  	[sflag:s0] =	ssyncadd.tile.s32 @!p0 $0x1;
	_ =	shalt  }
.Lfunc_end2:
_tile_overlayer_lowered:
.L_overlay_start_2:
0x4d: {  	(tag) =	ssettag $0x2  }
0x4e: {  	s0 =	rddreg [dreg:$0x0];
	s2 =	stileid.u32  }
0x4f: {  	s1 =	rddreg [dreg:$0x1];
	p0 =	sne.s32 s2, $0x0  }
0x50: {  	s3 =	rddreg [dreg:$0x2];
	[bflag:$0x3] =	sbarrier.arrive $0xFFFF;
	s2 =	simm.s32 @!p0 $0x1C02  }
0x51: {  	[timem:s3], [sflag:s2] =	dma.local @!p0 [hbm:s0], s1  }
0x52: {  	s0 =	simm.s32 @!p0 $0x2  }
0x53: {  	_ =	swait.ge @!p0 [sflag:s0], s1  }
0x54: {  	s1 =	ssub.s32 @!p0 $0x0, s1;
	[sflag:s0] =	ssyncset.done @!p0 $0x0  }
0x55: {  	[sflag:s0] =	ssyncadd.s32 @!p0 s1  }
0x56: {  	[bflag:$0x3] =	sbarrier.arrive $0xFFFF  }
0x57: {  	_ =	shalt  }

// kernel: kernel.16.cloned.1.call-start
scs
__scs_entry_jumppad:
0x0: {  	(pc) =	sbr.rel $0x88, $3  }
0x1: {  	(tag) =	ssettag $0x0;
	lr =	simm.s32 $0x1  }
0x2: {  	[smem:$0x3F8F] =	sst lr;
	_ =	strace $0xD0000000  }
0x3: {  	_ = 	snop  }
0x4: {  	_ = 	snop  }
0x5: {  	_ = 	snop  }
0x6: {  	_ = 	snop  }
0x7: {  	_ = 	snop  }
__scs_overlays_trampoline_lowered:
0x8: {  	[smem:$0x3F9E] =	sst s0  }
0x9: {  	[smem:$0x3F9F] =	sst s1  }
0xa: {  	[smem:$0x3FA0] =	sst s2  }
0xb: {  	[smem:$0x3FA1] =	sst s3  }
0xc: {  	[smem:$0x3FA2] =	sst s4  }
0xd: {  	[smem:$0x3FA3] =	sst s5  }
0xe: {  	[smem:$0x3FA4] =	sst s6  }
0xf: {  	[smem:$0x3FA5] =	sst s7  }
0x10: {  	[smem:$0x3FA6] =	sst s8  }
0x11: {  	[smem:$0x3FA7] =	sst s9;
	s0 =	simm.s32 @!p0 $0x0  }
0x12: {  	s1 =	sld [smem:$0x3F8D];
	s0 =	simm.s32 @p0 $0x1  }
0x13: {  	[smem:$0x3FA8] =	sst s0;
	s0 =	simm.s32 @!p1 $0x0  }
0x14: {  	s2 =	sld [smem:$0x3F8C];
	s0 =	simm.s32 @p1 $0x1  }
0x15: {  	[smem:$0x3FA9] =	sst s0;
	s0 =	simm.s32 @!p2 $0x0  }
0x16: {  	s3 =	sld [smem:$0x3FDB];
	s0 =	simm.s32 @p2 $0x1  }
0x17: {  	s4 =	simm.s32 $0x1BF5;
	[smem:$0x3FAB] =	sst s0  }
0x18: {  	s0 =	sld [smem:$0x3F8E];
	_ =	swait.ge [sflag:s4], $0x0  }
0x19: {  	s7 =	sld [smem:$0x3F8F]  }
0x1a: {  	s8 =	sadd.s32 $0xFFFFE003, lr  }
0x1b: {  	s9 =	sadd.s32 $0xFFFFFEF7, lr;
	s5 =	simm.s32 $0xFFFFFFFF;
	p2 =	slt.u32 s8, $0xFFFFF086  }
0x1c: {  	p1 =	slt.u32 s9, $0xF7A;
	s5 =	simm.s32 @!p2 $0x0  }
0x1d: {  	s5 =	simm.s32 @p1 $0x1;
	p0 =	seq.s32 s7, s2  }
0x1e: {  	s7 =	smul.u32 @!p0 $0xF7A, s2;
	p2 =	seq.s32 @!p0 s5, $0x0  }
0x1f: {  	s9 =	smul.u32 $0xF7A, s1;
	s8 =	simm.s32 @!p0 $0x1BF5;
	p2 =	por !p2, p0  }
0x20: {  	[sflag:s8] =	ssyncset.s32 @!p0 $0xFFFFF086;
	s6 =	sadd.s32 @!p0 s3, s7;
	s7 =	simm.s32 @!p0 $0x108  }
0x21: {  	s3 =	sadd.s32 s3, s9;
	s6 =	sadd.s32 @!p0 $0x88, s6;
	s7 =	simm.s32 @p2 $0x1082  }
0x22: {  	[simem:s7], [sflag:s8] =	dma.local @!p0 [hbm:s6], $0xF7A  }
0x23: {  	s9 =	sor.u32 $0xD0000000, s2;
	s6 =	simm.s32 $0x108;
	_ =	swait.ge @!p0 [sflag:s8], $0x0  }
0x24: {  	s3 =	sadd.s32 $0x88, s3;
	s6 =	simm.s32 @!p1 $0x1082;
	[sflag:s4] =	ssyncset.s32 $0xFFFFF086  }
0x25: {  	[simem:s6], [sflag:s4] =	dma.local [hbm:s3], $0xF7A  }
0x26: {  	[smem:$0x3F8F] =	sst s1;
	(tag) =	ssettag s2;
	_ =	strace s9  }
0x27: {  	s1 =	sld [smem:$0x3F9F]  }
0x28: {  	s2 =	sld [smem:$0x3FA0]  }
0x29: {  	s4 =	sld [smem:$0x3FA2]  }
0x2a: {  	p0 =	seq.s32 s5, $0x0;
	s5 =	sld [smem:$0x3FA3]  }
0x2b: {  	s6 =	sld [smem:$0x3FA4]  }
0x2c: {  	s7 =	sld [smem:$0x3FA5]  }
0x2d: {  	s3 =	simm.s32 $0x108;
	s8 =	sld [smem:$0x3FA6]  }
0x2e: {  	s3 =	simm.s32 @!p0 $0x1082;
	s9 =	sld [smem:$0x3FA7]  }
0x2f: {  	lr =	sadd.s32 s0, s3;
	s0 =	sld [smem:$0x3F9E]  }
0x30: {  	s3 =	sld [smem:$0x3FA1]  }
0x31: {  	[smem:$0x3FAA] =	sst s10  }
0x32: {  	s10 =	sld [smem:$0x3FA8];
	_ =	sdelay $0x3  }
0x33: {  	p0 =	seq.s32 s10, $0x1;
	s10 =	sld [smem:$0x3FAA];
	_ =	sdelay $0x3  }
0x34: {  	[smem:$0x3FAA] =	sst s10  }
0x35: {  	s10 =	sld [smem:$0x3FA9];
	_ =	sdelay $0x3  }
0x36: {  	p1 =	seq.s32 s10, $0x1;
	s10 =	sld [smem:$0x3FAA];
	_ =	sdelay $0x3  }
0x37: {  	[smem:$0x3FAA] =	sst s10  }
0x38: {  	s10 =	sld [smem:$0x3FAB]  }
0x39: {  	_ = 	snop;
	(pc) =	sbr.ind lr, $3  }
0x3a: {  	_ = 	snop  }
0x3b: {  	_ = 	snop  }
0x3c: {  	p2 =	seq.s32 s10, $0x1;
	s10 =	sld [smem:$0x3FAA]  }
0x3d: {  	_ =	shalt  }
0x3e: {  	_ =	shalt  }
0x3f: {  	_ =	shalt  }
0x40: {  	_ =	shalt  }
0x41: {  	_ =	shalt  }
0x42: {  	_ =	shalt  }
0x43: {  	_ =	shalt  }
0x44: {  	_ =	shalt  }
0x45: {  	_ =	shalt  }
0x46: {  	_ =	shalt  }
0x47: {  	_ =	shalt  }
0x48: {  	_ =	shalt  }
0x49: {  	_ =	shalt  }
0x4a: {  	_ =	shalt  }
0x4b: {  	_ =	shalt  }
0x4c: {  	_ =	shalt  }
0x4d: {  	_ =	shalt  }
0x4e: {  	_ =	shalt  }
0x4f: {  	_ =	shalt  }
0x50: {  	_ =	shalt  }
0x51: {  	_ =	shalt  }
0x52: {  	_ =	shalt  }
0x53: {  	_ =	shalt  }
0x54: {  	_ =	shalt  }
0x55: {  	_ =	shalt  }
0x56: {  	_ =	shalt  }
0x57: {  	_ =	shalt  }
0x58: {  	_ =	shalt  }
0x59: {  	_ =	shalt  }
0x5a: {  	_ =	shalt  }
0x5b: {  	_ =	shalt  }
0x5c: {  	_ =	shalt  }
0x5d: {  	_ =	shalt  }
0x5e: {  	_ =	shalt  }
0x5f: {  	_ =	shalt  }
0x60: {  	_ =	shalt  }
0x61: {  	_ =	shalt  }
0x62: {  	_ =	shalt  }
0x63: {  	_ =	shalt  }
0x64: {  	_ =	shalt  }
0x65: {  	_ =	shalt  }
0x66: {  	_ =	shalt  }
0x67: {  	_ =	shalt  }
0x68: {  	_ =	shalt  }
0x69: {  	_ =	shalt  }
0x6a: {  	_ =	shalt  }
0x6b: {  	_ =	shalt  }
0x6c: {  	_ =	shalt  }
0x6d: {  	_ =	shalt  }
0x6e: {  	_ =	shalt  }
0x6f: {  	_ =	shalt  }
0x70: {  	_ =	shalt  }
0x71: {  	_ =	shalt  }
0x72: {  	_ =	shalt  }
0x73: {  	_ =	shalt  }
0x74: {  	_ =	shalt  }
0x75: {  	_ =	shalt  }
0x76: {  	_ =	shalt  }
0x77: {  	_ =	shalt  }
0x78: {  	_ =	shalt  }
0x79: {  	_ =	shalt  }
0x7a: {  	_ =	shalt  }
0x7b: {  	_ =	shalt  }
0x7c: {  	_ =	shalt  }
0x7d: {  	_ =	shalt  }
0x7e: {  	_ =	shalt  }
0x7f: {  	_ =	shalt  }
0x80: {  	_ =	shalt  }
0x81: {  	_ =	shalt  }
0x82: {  	_ =	shalt  }
0x83: {  	_ =	shalt  }
0x84: {  	_ =	shalt  }
0x85: {  	_ =	shalt  }
0x86: {  	_ =	shalt  }
0x87: {  	_ =	shalt  }
.Lfunc_end0:
.L_simem_size_0:
called_computation.1_lowered:
.L_overlay_start_0:
0x88: {  	s2 =	sld [smem:$0x3FD9]  }
0x89: {  	s3 =	sld [smem:$0x3FFE];
	_ =	sdelay $0x1  }
0x8a: {  	s1 =	srdreg.scid  }
0x8b: {  	s0 =	sand.u32 $0x1, s1  }
0x8c: {  	s17 =	sshll.u32 s0, $0xA;
	s2 =	sadd.s32 s3, s2  }
0x8d: {  	s2 =	sadd.s32 s2, s17  }
0x8e: {  	[smem:$0x3FB6] =	sst s2  }
0x8f: {  	_ = 	snop  }
0x90: {  	s2 =	sld [smem:$0x3FD0];
	(tm) =	ssettm $0x1  }
0x91: {  	s18 =	sld [smem:$0x3FFB];
	_ =	sdelay $0x3  }
0x92: {  	_ =	strace s18  }
0x93: {  	s3 =	sld [smem:$0x3FFC];
	_ =	sdelay $0x3  }
0x94: {  	_ =	strace s3  }
0x95: {  	s3 =	sld [smem:$0x3FFD];
	_ =	sdelay $0x3  }
0x96: {  	_ =	strace s3  }
0x97: {  	_ =	strace $0x8FFFFFFF  }
0x98: {  	s19 =	sld [smem:$0x3FDB];
	_ =	sdelay $0x1  }
0x99: {  	s4 =	simm.s32 $_scs_section_size  }
0x9a: {  	s5 =	simm.s32 $_size__tile_overlayer_lowered;
	s6 =	simm.s32 $_tile_overlayer_lowered  }
0x9b: {  	s22 =	simm.s32 $0x1BFF;
	s21 =	sshll.u32 s6, $0x1;
	s3 =	sadd.s32 s4, s19  }
0x9c: {  	s7 =	simm.s32 $0x0;
	s20 =	sshll.u32 s5, $0x1;
	s5 =	sadd.s32 s21, s3  }
0x9d: {  	[timem:s7], [sflag:s22] =	dma.local [hbm:s5], s20  }
0x9e: {  	_ =	swait.ge [sflag:s22], s20  }
0x9f: {  	s4 =	ssub.s32 $0x0, s20;
	[sflag:s22] =	ssyncset.done $0x0  }
0xa0: {  	[sflag:s22] =	ssyncadd.s32 s4;
	_ =	sdelay $0x1  }
0xa1: {  	s23 =	simm.s32 $0x1B8B  }
0xa2: {  	_ =	swait.ge [sflag:s23], $0x1  }
0xa3: {  	[sflag:s23] =	ssyncset.done $0x0  }
0xa4: {  	s25 =	simm.s32 $0x1B8E;
	s24 =	sld [smem:$0x3FFE];
	[sflag:s23] =	ssyncadd.s32 $0xFFFFFFFF  }
0xa5: {  	s26 =	simm.s32 $execute0_lowered;
	[smem:$0x3FD2] =	sst s25  }
0xa6: {  	s5 =	sshll.u32 s26, $0x1;
	_ =	strace $0x80000049;
	[dreg:$0x1] =	wrdreg $0xFFFFFFFF  }
0xa7: {  	s28 =	simm.s32 $_size_execute0_lowered;
	s3 =	sadd.s32 s3, s5;
	[dreg:$0x0] =	wrdreg $0x0  }
0xa8: {  	s5 =	sshll.u32 s28, $0x1;
	[dreg:$0x2] =	wrdreg s3  }
0xa9: {  	[dreg:$0x3] =	wrdreg s5  }
0xaa: {  	[dreg:$0x4] =	wrdreg $0xC0  }
0xab: {  	_ =	task [dreg:s7], $0x5FFFF  }
0xac: {  	[dreg:$0x1] =	wrdreg $0xFFFFFFFF  }
0xad: {  	[dreg:$0x0] =	wrdreg $0x60  }
0xae: {  	[dreg:$0x2] =	wrdreg s2  }
0xaf: {  	[dreg:$0x3] =	wrdreg s24  }
0xb0: {  	[dreg:$0x4] =	wrdreg $0x9  }
0xb1: {  	_ =	task.clear_ibuf [dreg:s7], $0x5FFFF;
	_ =	strace $0x90000049  }
0xb2: {  	s29 =	simm.s32 $0x9;
	_ =	strace $0x8000004B  }
0xb3: {  	_ =	swait.ge [sflag:s29], $0x1  }
0xb4: {  	[sflag:s29] =	ssyncadd.s32 $0xFFFFFFFF  }
0xb5: {  	_ =	strace $0x9000004B  }
0xb6: {  	_ =	sfence  }
0xb7: {  	s30 =	sld [smem:$0x0];
	_ =	sdelay $0x2  }
0xb8: {  	s31 =	sshll.u32 s1, $0xD;
	s1 =	sshrl.u32 s1, $0x2  }
0xb9: {  	s3 =	sand.u32 $0x4000, s31;
	s1 =	sadd.s32 s1, s30  }
0xba: {  	s0 =	sor.u32 s3, s0;
	s1 =	sshll.u32 s1, $0x11  }
0xbb: {  	s0 =	sor.u32 s1, s0  }
0xbc: {  	s0 =	sadd.s32 $0x8F2B, s0  }
0xbd: {  	[sflag:s0] =	ssyncadd.remote.s32 $0x1  }
0xbe: {  	_ =	sfence.sel $0xFFFF  }
0xbf: {  	[dreg:$0x0] =	wrdreg $0xFFFFFFFF;
	(pc) =	sbr.abs _section_cstart, $3  }
0xc0: {  	[dreg:$0x1] =	wrdreg $0xFFFFFFFF  }
0xc1: {  	_ =	task.clear_ibuf [dreg:s7], $0x2FFFF;
	_ =	strace $0x9FFFFFFF  }
0xc2: {  	(tm) =	ssettm $0x7FFFFFFF  }
0xc3: {  	_ =	shalt  }
tec
execute0_lowered:
.L_overlay_start_1:
0x0: {  	(tag) =	ssettag $0x1  }
0x1: {  	s0 =	stileid.u32  }
0x2: {  	s1 =	srdreg.scid;
	s2 =	rddreg [dreg:$0x0]  }
0x3: {  	s6 =	rddreg [dreg:$0x1];
	s9 =	simm.s32 $0x80;
	s10 =	simm.s32 $0x200  }
0x4: {  	s11 =	simm.s32 $0x4200;
	s12 =	simm.s32 $0x100;
	s13 =	simm.s32 $0x8200  }
0x5: {  	s14 =	simm.s32 $0x180;
	s15 =	simm.s32 $0xC200;
	s16 =	simm.s32 $0x1  }
0x6: {  	s17 =	simm.s32 $0x0;
	s3 =	smul.u32 $0x2A, s0;
	s4 =	sand.u32 $0x1, s1  }
0x7: {  	s5 =	smul.u32 $0xD, s0;
	s1 =	rddreg [dreg:$0x2];
	p0 =	seq.s32 s4, $0x0  }
0x8: {  	s4 =	ssub.s32 $0x2, s4;
	s7 =	sadd.s32 $0xD0, s3;
	s3 =	simm.s32 $0x0  }
0x9: {  	s31 =	sshrl.u32 s4, $0x1;
	s7 =	smov.u32 @p0 s5;
	[smem:$0x7FF] =	sst s3  }
0xa: {  	s5 =	sshll.u32 s7, $0x6;
	_ =	strace $0x8000004A;
	s7 =	sshll.u32 s7, $0xD  }
0xb: {  	s8 =	sadd.s32 s5, s6;
	s5 =	ssub.s32 s4, s31;
	s4 =	simm.s32 $0xD  }
0xc: {  	s6 =	sadd.s32 s7, s6;
	s4 =	simm.s32 @!p0 $0x2A;
	s5 =	smax.u32 s5, $0x1  }
0xd: {  	s6 =	sadd.s32 $0x16C00, s6;
	s7 =	sadd.s32 $0x9000, s8;
	s8 =	simm.s32 $0x2  }
.LBB2_1:
0xe: {  	[tilespmem:s3], [sflag:$0x2] =	stream.linear.gather [hbm4b:s7+s3], $0x200, $0x38;
	[tilespmem:$0x10200] =	vst v63  }
0xf: {  	_ =	swait.ge [sflag:s8], $0x200  }
0x10: {  	[sflag:s8] =	ssyncset.done $0x0  }
0x11: {  	[sflag:s8] =	ssyncadd.s32 $0xFFFFFE00  }
0x12: {  	[tilespmem:s10], [sflag:$0x1] =	stream.indirect.gather [hbm4b:s2+s9], $0x80, s3, s9, $0xb8;
	[tilespmem:$0x10200] =	vst v63  }
0x13: {  	_ = 	snop  }
0x14: {  	[tilespmem:s11], [sflag:$0x1] =	stream.indirect.gather [hbm4b:s2+s9], $0x80, s9, s9, $0xb8;
	[tilespmem:$0x10200] =	vst v63  }
0x15: {  	_ = 	snop  }
0x16: {  	[tilespmem:s13], [sflag:$0x1] =	stream.indirect.gather [hbm4b:s2+s9], $0x80, s12, s9, $0xb8;
	[tilespmem:$0x10200] =	vst v63  }
0x17: {  	_ = 	snop  }
0x18: {  	[tilespmem:s15], [sflag:$0x1] =	stream.indirect.gather [hbm4b:s2+s9], $0x80, s14, s9, $0xb8;
	[tilespmem:$0x10200] =	vst v63  }
0x19: {  	_ =	swait.ge [sflag:s16], $0x4000  }
0x1a: {  	[sflag:s16] =	ssyncset.done $0x0  }
0x1b: {  	[sflag:s16] =	ssyncadd.s32 $0xFFFFC000  }
0x1c: {  	_ =	swait.ge [sflag:s16], $0x4000  }
0x1d: {  	[sflag:s16] =	ssyncset.done $0x0  }
0x1e: {  	[sflag:s16] =	ssyncadd.s32 $0xFFFFC000  }
0x1f: {  	_ =	swait.ge [sflag:s16], $0x4000  }
0x20: {  	[sflag:s16] =	ssyncset.done $0x0  }
0x21: {  	[sflag:s16] =	ssyncadd.s32 $0xFFFFC000  }
0x22: {  	p0 =	sne.s32 s4, $0x1;
	_ =	swait.ge [sflag:s16], $0x4000  }
.Ltmp0:
0x23: {  	[sflag:s16] =	ssyncset.done $0x0;
	(pc) =	sbr.rel @!p0 .LBB2_3-.Ltmp0, $4  }
0x24: {  	[sflag:s16] =	ssyncadd.s32 $0xFFFFC000  }
0x25: {  	[hbm4b:s6+s3] =	stream.linear.scatter [tilespmem:s10], [sflag:$0x2], $0x10000, $0x38;
	[tilespmem:$0x10200] =	vst v63  }
0x26: {  	s18 =	sadd.s32 $0xFFFFFFFF, s4;
	_ =	swait.ge [sflag:s8], $0x10000  }
0x27: {  	s19 =	smov.u32 s6;
	s20 =	smov.u32 s7;
	[sflag:s8] =	ssyncset.done $0x0  }
.LBB2_2:
0x28: {  	[sflag:s8] =	ssyncadd.s32 $0xFFFF0000;
	s19 =	sadd.s32 $0x2000, s19;
	s20 =	sadd.s32 $0x40, s20  }
0x29: {  	[tilespmem:s3], [sflag:$0x2] =	stream.linear.gather [hbm4b:s20+s3], $0x200, $0x38;
	[tilespmem:$0x10200] =	vst v63  }
0x2a: {  	p0 =	sne.s32 s18, $0x1;
	s18 =	sadd.s32 $0xFFFFFFFF, s18;
	_ =	swait.ge [sflag:s8], $0x200  }
0x2b: {  	[sflag:s8] =	ssyncset.done $0x0  }
0x2c: {  	[sflag:s8] =	ssyncadd.s32 $0xFFFFFE00  }
0x2d: {  	[tilespmem:s10], [sflag:$0x1] =	stream.indirect.gather [hbm4b:s2+s9], $0x80, s3, s9, $0xb8;
	[tilespmem:$0x10200] =	vst v63  }
0x2e: {  	_ = 	snop  }
0x2f: {  	[tilespmem:s11], [sflag:$0x1] =	stream.indirect.gather [hbm4b:s2+s9], $0x80, s9, s9, $0xb8;
	[tilespmem:$0x10200] =	vst v63  }
0x30: {  	_ = 	snop  }
0x31: {  	[tilespmem:s13], [sflag:$0x1] =	stream.indirect.gather [hbm4b:s2+s9], $0x80, s12, s9, $0xb8;
	[tilespmem:$0x10200] =	vst v63  }
0x32: {  	_ = 	snop  }
0x33: {  	[tilespmem:s15], [sflag:$0x1] =	stream.indirect.gather [hbm4b:s2+s9], $0x80, s14, s9, $0xb8;
	[tilespmem:$0x10200] =	vst v63  }
0x34: {  	_ =	swait.ge [sflag:s16], $0x4000  }
0x35: {  	[sflag:s16] =	ssyncset.done $0x0  }
0x36: {  	[sflag:s16] =	ssyncadd.s32 $0xFFFFC000  }
0x37: {  	_ =	swait.ge [sflag:s16], $0x4000  }
0x38: {  	[sflag:s16] =	ssyncset.done $0x0  }
0x39: {  	[sflag:s16] =	ssyncadd.s32 $0xFFFFC000  }
0x3a: {  	_ =	swait.ge [sflag:s16], $0x4000  }
0x3b: {  	[sflag:s16] =	ssyncset.done $0x0  }
0x3c: {  	[sflag:s16] =	ssyncadd.s32 $0xFFFFC000  }
0x3d: {  	_ =	swait.ge [sflag:s16], $0x4000  }
.Ltmp1:
0x3e: {  	[sflag:s16] =	ssyncset.done $0x0;
	(pc) =	sbr.rel @p0 .LBB2_2-.Ltmp1, $4  }
0x3f: {  	[sflag:s16] =	ssyncadd.s32 $0xFFFFC000  }
0x40: {  	[hbm4b:s19+s3] =	stream.linear.scatter [tilespmem:s10], [sflag:$0x2], $0x10000, $0x38;
	[tilespmem:$0x10200] =	vst v63  }
0x41: {  	_ =	swait.ge [sflag:s8], $0x10000  }
0x42: {  	[sflag:s8] =	ssyncset.done $0x0  }
.LBB2_3:
0x43: {  	s17 =	sadd.s32 $0x1, s17  }
0x44: {  	p0 =	sne.s32 s17, s5  }
.Ltmp2:
0x45: {  	_ = 	snop;
	(pc) =	sbr.rel @p0 .LBB2_1-.Ltmp2, $2  }
0x46: {  	_ =	sdelay $0x2  }
0x47: {  	[sflag:s8] =	ssyncadd.s32 $0xFFFF0000  }
0x48: {  	_ =	sfence.sel $0x180000  }
0x49: {  	[bflag:$0x0] =	sbarrier.arrive $0xFFFF  }
0x4a: {  	p0 =	sne.s32 s0, $0x0;
	_ =	strace $0x9000004A  }
0x4b: {  	s0 =	sadd.s32 @!p0 $0x100000, s1;
	[bflag:$0x2] =	sbarrier.arrive $0xFFFF  }
0x4c: {  	[sflag:s0] =	ssyncadd.tile.s32 @!p0 $0x1;
	_ =	shalt  }
.Lfunc_end2:
_tile_overlayer_lowered:
.L_overlay_start_2:
0x4d: {  	(tag) =	ssettag $0x2  }
0x4e: {  	s0 =	rddreg [dreg:$0x0];
	s2 =	stileid.u32  }
0x4f: {  	s1 =	rddreg [dreg:$0x1];
	p0 =	sne.s32 s2, $0x0  }
0x50: {  	s3 =	rddreg [dreg:$0x2];
	[bflag:$0x3] =	sbarrier.arrive $0xFFFF;
	s2 =	simm.s32 @!p0 $0x1C02  }
0x51: {  	[timem:s3], [sflag:s2] =	dma.local @!p0 [hbm:s0], s1  }
0x52: {  	s0 =	simm.s32 @!p0 $0x2  }
0x53: {  	_ =	swait.ge @!p0 [sflag:s0], s1  }
0x54: {  	s1 =	ssub.s32 @!p0 $0x0, s1;
	[sflag:s0] =	ssyncset.done @!p0 $0x0  }
0x55: {  	[sflag:s0] =	ssyncadd.s32 @!p0 s1  }
0x56: {  	[bflag:$0x3] =	sbarrier.arrive $0xFFFF  }
0x57: {  	_ =	shalt  }

// kernel: kernel.19.cloned.1.call-start
scs
__scs_entry_jumppad:
0x0: {  	(pc) =	sbr.rel $0x88, $3  }
0x1: {  	(tag) =	ssettag $0x0;
	lr =	simm.s32 $0x1  }
0x2: {  	[smem:$0x3F8F] =	sst lr;
	_ =	strace $0xD0000000  }
0x3: {  	_ = 	snop  }
0x4: {  	_ = 	snop  }
0x5: {  	_ = 	snop  }
0x6: {  	_ = 	snop  }
0x7: {  	_ = 	snop  }
__scs_overlays_trampoline_lowered:
0x8: {  	[smem:$0x3F9E] =	sst s0  }
0x9: {  	[smem:$0x3F9F] =	sst s1  }
0xa: {  	[smem:$0x3FA0] =	sst s2  }
0xb: {  	[smem:$0x3FA1] =	sst s3  }
0xc: {  	[smem:$0x3FA2] =	sst s4  }
0xd: {  	[smem:$0x3FA3] =	sst s5  }
0xe: {  	[smem:$0x3FA4] =	sst s6  }
0xf: {  	[smem:$0x3FA5] =	sst s7  }
0x10: {  	[smem:$0x3FA6] =	sst s8  }
0x11: {  	[smem:$0x3FA7] =	sst s9;
	s0 =	simm.s32 @!p0 $0x0  }
0x12: {  	s1 =	sld [smem:$0x3F8D];
	s0 =	simm.s32 @p0 $0x1  }
0x13: {  	[smem:$0x3FA8] =	sst s0;
	s0 =	simm.s32 @!p1 $0x0  }
0x14: {  	s2 =	sld [smem:$0x3F8C];
	s0 =	simm.s32 @p1 $0x1  }
0x15: {  	[smem:$0x3FA9] =	sst s0;
	s0 =	simm.s32 @!p2 $0x0  }
0x16: {  	s3 =	sld [smem:$0x3FDB];
	s0 =	simm.s32 @p2 $0x1  }
0x17: {  	s4 =	simm.s32 $0x1BF5;
	[smem:$0x3FAB] =	sst s0  }
0x18: {  	s0 =	sld [smem:$0x3F8E];
	_ =	swait.ge [sflag:s4], $0x0  }
0x19: {  	s7 =	sld [smem:$0x3F8F]  }
0x1a: {  	s8 =	sadd.s32 $0xFFFFE003, lr  }
0x1b: {  	s9 =	sadd.s32 $0xFFFFFEF7, lr;
	s5 =	simm.s32 $0xFFFFFFFF;
	p2 =	slt.u32 s8, $0xFFFFF086  }
0x1c: {  	p1 =	slt.u32 s9, $0xF7A;
	s5 =	simm.s32 @!p2 $0x0  }
0x1d: {  	s5 =	simm.s32 @p1 $0x1;
	p0 =	seq.s32 s7, s2  }
0x1e: {  	s7 =	smul.u32 @!p0 $0xF7A, s2;
	p2 =	seq.s32 @!p0 s5, $0x0  }
0x1f: {  	s9 =	smul.u32 $0xF7A, s1;
	s8 =	simm.s32 @!p0 $0x1BF5;
	p2 =	por !p2, p0  }
0x20: {  	[sflag:s8] =	ssyncset.s32 @!p0 $0xFFFFF086;
	s6 =	sadd.s32 @!p0 s3, s7;
	s7 =	simm.s32 @!p0 $0x108  }
0x21: {  	s3 =	sadd.s32 s3, s9;
	s6 =	sadd.s32 @!p0 $0x88, s6;
	s7 =	simm.s32 @p2 $0x1082  }
0x22: {  	[simem:s7], [sflag:s8] =	dma.local @!p0 [hbm:s6], $0xF7A  }
0x23: {  	s9 =	sor.u32 $0xD0000000, s2;
	s6 =	simm.s32 $0x108;
	_ =	swait.ge @!p0 [sflag:s8], $0x0  }
0x24: {  	s3 =	sadd.s32 $0x88, s3;
	s6 =	simm.s32 @!p1 $0x1082;
	[sflag:s4] =	ssyncset.s32 $0xFFFFF086  }
0x25: {  	[simem:s6], [sflag:s4] =	dma.local [hbm:s3], $0xF7A  }
0x26: {  	[smem:$0x3F8F] =	sst s1;
	(tag) =	ssettag s2;
	_ =	strace s9  }
0x27: {  	s1 =	sld [smem:$0x3F9F]  }
0x28: {  	s2 =	sld [smem:$0x3FA0]  }
0x29: {  	s4 =	sld [smem:$0x3FA2]  }
0x2a: {  	p0 =	seq.s32 s5, $0x0;
	s5 =	sld [smem:$0x3FA3]  }
0x2b: {  	s6 =	sld [smem:$0x3FA4]  }
0x2c: {  	s7 =	sld [smem:$0x3FA5]  }
0x2d: {  	s3 =	simm.s32 $0x108;
	s8 =	sld [smem:$0x3FA6]  }
0x2e: {  	s3 =	simm.s32 @!p0 $0x1082;
	s9 =	sld [smem:$0x3FA7]  }
0x2f: {  	lr =	sadd.s32 s0, s3;
	s0 =	sld [smem:$0x3F9E]  }
0x30: {  	s3 =	sld [smem:$0x3FA1]  }
0x31: {  	[smem:$0x3FAA] =	sst s10  }
0x32: {  	s10 =	sld [smem:$0x3FA8];
	_ =	sdelay $0x3  }
0x33: {  	p0 =	seq.s32 s10, $0x1;
	s10 =	sld [smem:$0x3FAA];
	_ =	sdelay $0x3  }
0x34: {  	[smem:$0x3FAA] =	sst s10  }
0x35: {  	s10 =	sld [smem:$0x3FA9];
	_ =	sdelay $0x3  }
0x36: {  	p1 =	seq.s32 s10, $0x1;
	s10 =	sld [smem:$0x3FAA];
	_ =	sdelay $0x3  }
0x37: {  	[smem:$0x3FAA] =	sst s10  }
0x38: {  	s10 =	sld [smem:$0x3FAB]  }
0x39: {  	_ = 	snop;
	(pc) =	sbr.ind lr, $3  }
0x3a: {  	_ = 	snop  }
0x3b: {  	_ = 	snop  }
0x3c: {  	p2 =	seq.s32 s10, $0x1;
	s10 =	sld [smem:$0x3FAA]  }
0x3d: {  	_ =	shalt  }
0x3e: {  	_ =	shalt  }
0x3f: {  	_ =	shalt  }
0x40: {  	_ =	shalt  }
0x41: {  	_ =	shalt  }
0x42: {  	_ =	shalt  }
0x43: {  	_ =	shalt  }
0x44: {  	_ =	shalt  }
0x45: {  	_ =	shalt  }
0x46: {  	_ =	shalt  }
0x47: {  	_ =	shalt  }
0x48: {  	_ =	shalt  }
0x49: {  	_ =	shalt  }
0x4a: {  	_ =	shalt  }
0x4b: {  	_ =	shalt  }
0x4c: {  	_ =	shalt  }
0x4d: {  	_ =	shalt  }
0x4e: {  	_ =	shalt  }
0x4f: {  	_ =	shalt  }
0x50: {  	_ =	shalt  }
0x51: {  	_ =	shalt  }
0x52: {  	_ =	shalt  }
0x53: {  	_ =	shalt  }
0x54: {  	_ =	shalt  }
0x55: {  	_ =	shalt  }
0x56: {  	_ =	shalt  }
0x57: {  	_ =	shalt  }
0x58: {  	_ =	shalt  }
0x59: {  	_ =	shalt  }
0x5a: {  	_ =	shalt  }
0x5b: {  	_ =	shalt  }
0x5c: {  	_ =	shalt  }
0x5d: {  	_ =	shalt  }
0x5e: {  	_ =	shalt  }
0x5f: {  	_ =	shalt  }
0x60: {  	_ =	shalt  }
0x61: {  	_ =	shalt  }
0x62: {  	_ =	shalt  }
0x63: {  	_ =	shalt  }
0x64: {  	_ =	shalt  }
0x65: {  	_ =	shalt  }
0x66: {  	_ =	shalt  }
0x67: {  	_ =	shalt  }
0x68: {  	_ =	shalt  }
0x69: {  	_ =	shalt  }
0x6a: {  	_ =	shalt  }
0x6b: {  	_ =	shalt  }
0x6c: {  	_ =	shalt  }
0x6d: {  	_ =	shalt  }
0x6e: {  	_ =	shalt  }
0x6f: {  	_ =	shalt  }
0x70: {  	_ =	shalt  }
0x71: {  	_ =	shalt  }
0x72: {  	_ =	shalt  }
0x73: {  	_ =	shalt  }
0x74: {  	_ =	shalt  }
0x75: {  	_ =	shalt  }
0x76: {  	_ =	shalt  }
0x77: {  	_ =	shalt  }
0x78: {  	_ =	shalt  }
0x79: {  	_ =	shalt  }
0x7a: {  	_ =	shalt  }
0x7b: {  	_ =	shalt  }
0x7c: {  	_ =	shalt  }
0x7d: {  	_ =	shalt  }
0x7e: {  	_ =	shalt  }
0x7f: {  	_ =	shalt  }
0x80: {  	_ =	shalt  }
0x81: {  	_ =	shalt  }
0x82: {  	_ =	shalt  }
0x83: {  	_ =	shalt  }
0x84: {  	_ =	shalt  }
0x85: {  	_ =	shalt  }
0x86: {  	_ =	shalt  }
0x87: {  	_ =	shalt  }
.Lfunc_end0:
.L_simem_size_0:
called_computation.2_lowered:
.L_overlay_start_0:
0x88: {  	s2 =	sld [smem:$0x3FD9]  }
0x89: {  	s3 =	sld [smem:$0x3FFE];
	_ =	sdelay $0x1  }
0x8a: {  	s1 =	srdreg.scid  }
0x8b: {  	s0 =	sand.u32 $0x1, s1  }
0x8c: {  	s17 =	sshll.u32 s0, $0xA;
	s2 =	sadd.s32 s3, s2  }
0x8d: {  	s2 =	sadd.s32 s2, s17  }
0x8e: {  	[smem:$0x3FB6] =	sst s2  }
0x8f: {  	_ = 	snop  }
0x90: {  	s2 =	sld [smem:$0x3FD0];
	(tm) =	ssettm $0x1  }
0x91: {  	s18 =	sld [smem:$0x3FFB];
	_ =	sdelay $0x3  }
0x92: {  	_ =	strace s18  }
0x93: {  	s3 =	sld [smem:$0x3FFC];
	_ =	sdelay $0x3  }
0x94: {  	_ =	strace s3  }
0x95: {  	s3 =	sld [smem:$0x3FFD];
	_ =	sdelay $0x3  }
0x96: {  	_ =	strace s3  }
0x97: {  	_ =	strace $0x8FFFFFFF  }
0x98: {  	s19 =	sld [smem:$0x3FDB];
	_ =	sdelay $0x1  }
0x99: {  	s4 =	simm.s32 $_scs_section_size  }
0x9a: {  	s5 =	simm.s32 $_size__tile_overlayer_lowered;
	s6 =	simm.s32 $_tile_overlayer_lowered  }
0x9b: {  	s22 =	simm.s32 $0x1BFF;
	s21 =	sshll.u32 s6, $0x1;
	s3 =	sadd.s32 s4, s19  }
0x9c: {  	s7 =	simm.s32 $0x0;
	s20 =	sshll.u32 s5, $0x1;
	s5 =	sadd.s32 s21, s3  }
0x9d: {  	[timem:s7], [sflag:s22] =	dma.local [hbm:s5], s20  }
0x9e: {  	_ =	swait.ge [sflag:s22], s20  }
0x9f: {  	s4 =	ssub.s32 $0x0, s20;
	[sflag:s22] =	ssyncset.done $0x0  }
0xa0: {  	[sflag:s22] =	ssyncadd.s32 s4;
	_ =	sdelay $0x1  }
0xa1: {  	s23 =	simm.s32 $0x1B8B  }
0xa2: {  	_ =	swait.ge [sflag:s23], $0x1  }
0xa3: {  	[sflag:s23] =	ssyncset.done $0x0  }
0xa4: {  	s25 =	simm.s32 $0x1B8E;
	s24 =	sld [smem:$0x3FFE];
	[sflag:s23] =	ssyncadd.s32 $0xFFFFFFFF  }
0xa5: {  	s26 =	simm.s32 $execute0_lowered;
	[smem:$0x3FD2] =	sst s25  }
0xa6: {  	s5 =	sshll.u32 s26, $0x1;
	_ =	strace $0x8000004C;
	[dreg:$0x1] =	wrdreg $0xFFFFFFFF  }
0xa7: {  	s28 =	simm.s32 $_size_execute0_lowered;
	s3 =	sadd.s32 s3, s5;
	[dreg:$0x0] =	wrdreg $0x0  }
0xa8: {  	s5 =	sshll.u32 s28, $0x1;
	[dreg:$0x2] =	wrdreg s3  }
0xa9: {  	[dreg:$0x3] =	wrdreg s5  }
0xaa: {  	[dreg:$0x4] =	wrdreg $0xC0  }
0xab: {  	_ =	task [dreg:s7], $0x5FFFF  }
0xac: {  	[dreg:$0x1] =	wrdreg $0xFFFFFFFF  }
0xad: {  	[dreg:$0x0] =	wrdreg $0x60  }
0xae: {  	[dreg:$0x2] =	wrdreg s2  }
0xaf: {  	[dreg:$0x3] =	wrdreg s24  }
0xb0: {  	[dreg:$0x4] =	wrdreg $0x9  }
0xb1: {  	_ =	task.clear_ibuf [dreg:s7], $0x5FFFF;
	_ =	strace $0x9000004C  }
0xb2: {  	s29 =	simm.s32 $0x9;
	_ =	strace $0x8000004E  }
0xb3: {  	_ =	swait.ge [sflag:s29], $0x1  }
0xb4: {  	[sflag:s29] =	ssyncadd.s32 $0xFFFFFFFF  }
0xb5: {  	_ =	strace $0x9000004E  }
0xb6: {  	_ =	sfence  }
0xb7: {  	s30 =	sld [smem:$0x0];
	_ =	sdelay $0x2  }
0xb8: {  	s31 =	sshll.u32 s1, $0xD;
	s1 =	sshrl.u32 s1, $0x2  }
0xb9: {  	s3 =	sand.u32 $0x4000, s31;
	s1 =	sadd.s32 s1, s30  }
0xba: {  	s0 =	sor.u32 s3, s0;
	s1 =	sshll.u32 s1, $0x11  }
0xbb: {  	s0 =	sor.u32 s1, s0  }
0xbc: {  	s0 =	sadd.s32 $0x8F2B, s0  }
0xbd: {  	[sflag:s0] =	ssyncadd.remote.s32 $0x1  }
0xbe: {  	_ =	sfence.sel $0xFFFF  }
0xbf: {  	[dreg:$0x0] =	wrdreg $0xFFFFFFFF;
	(pc) =	sbr.abs _section_cstart, $3  }
0xc0: {  	[dreg:$0x1] =	wrdreg $0xFFFFFFFF  }
0xc1: {  	_ =	task.clear_ibuf [dreg:s7], $0x2FFFF;
	_ =	strace $0x9FFFFFFF  }
0xc2: {  	(tm) =	ssettm $0x7FFFFFFF  }
0xc3: {  	_ =	shalt  }
tec
execute0_lowered:
.L_overlay_start_1:
0x0: {  	(tag) =	ssettag $0x1  }
0x1: {  	s0 =	stileid.u32  }
0x2: {  	s1 =	srdreg.scid;
	s2 =	rddreg [dreg:$0x0]  }
0x3: {  	s6 =	rddreg [dreg:$0x1];
	s9 =	simm.s32 $0x80;
	s10 =	simm.s32 $0x200  }
0x4: {  	s11 =	simm.s32 $0x4200;
	s12 =	simm.s32 $0x100;
	s13 =	simm.s32 $0x8200  }
0x5: {  	s14 =	simm.s32 $0x180;
	s15 =	simm.s32 $0xC200;
	s16 =	simm.s32 $0x1  }
0x6: {  	s17 =	simm.s32 $0x0;
	s3 =	smul.u32 $0x2A, s0;
	s4 =	sand.u32 $0x1, s1  }
0x7: {  	s5 =	smul.u32 $0xD, s0;
	s1 =	rddreg [dreg:$0x2];
	p0 =	seq.s32 s4, $0x0  }
0x8: {  	s4 =	ssub.s32 $0x2, s4;
	s7 =	sadd.s32 $0xD0, s3;
	s3 =	simm.s32 $0x0  }
0x9: {  	s31 =	sshrl.u32 s4, $0x1;
	s7 =	smov.u32 @p0 s5;
	[smem:$0x7FF] =	sst s3  }
0xa: {  	s5 =	sshll.u32 s7, $0x6;
	_ =	strace $0x8000004D;
	s7 =	sshll.u32 s7, $0xD  }
0xb: {  	s8 =	sadd.s32 s5, s6;
	s5 =	ssub.s32 s4, s31;
	s4 =	simm.s32 $0xD  }
0xc: {  	s6 =	sadd.s32 s7, s6;
	s4 =	simm.s32 @!p0 $0x2A;
	s5 =	smax.u32 s5, $0x1  }
0xd: {  	s6 =	sadd.s32 $0x16C00, s6;
	s7 =	sadd.s32 $0x9000, s8;
	s8 =	simm.s32 $0x2  }
.LBB2_1:
0xe: {  	[tilespmem:s3], [sflag:$0x2] =	stream.linear.gather [hbm4b:s7+s3], $0x200, $0x38;
	[tilespmem:$0x10200] =	vst v63  }
0xf: {  	_ =	swait.ge [sflag:s8], $0x200  }
0x10: {  	[sflag:s8] =	ssyncset.done $0x0  }
0x11: {  	[sflag:s8] =	ssyncadd.s32 $0xFFFFFE00  }
0x12: {  	[tilespmem:s10], [sflag:$0x1] =	stream.indirect.gather [hbm4b:s2+s9], $0x80, s3, s9, $0xb8;
	[tilespmem:$0x10200] =	vst v63  }
0x13: {  	_ = 	snop  }
0x14: {  	[tilespmem:s11], [sflag:$0x1] =	stream.indirect.gather [hbm4b:s2+s9], $0x80, s9, s9, $0xb8;
	[tilespmem:$0x10200] =	vst v63  }
0x15: {  	_ = 	snop  }
0x16: {  	[tilespmem:s13], [sflag:$0x1] =	stream.indirect.gather [hbm4b:s2+s9], $0x80, s12, s9, $0xb8;
	[tilespmem:$0x10200] =	vst v63  }
0x17: {  	_ = 	snop  }
0x18: {  	[tilespmem:s15], [sflag:$0x1] =	stream.indirect.gather [hbm4b:s2+s9], $0x80, s14, s9, $0xb8;
	[tilespmem:$0x10200] =	vst v63  }
0x19: {  	_ =	swait.ge [sflag:s16], $0x4000  }
0x1a: {  	[sflag:s16] =	ssyncset.done $0x0  }
0x1b: {  	[sflag:s16] =	ssyncadd.s32 $0xFFFFC000  }
0x1c: {  	_ =	swait.ge [sflag:s16], $0x4000  }
0x1d: {  	[sflag:s16] =	ssyncset.done $0x0  }
0x1e: {  	[sflag:s16] =	ssyncadd.s32 $0xFFFFC000  }
0x1f: {  	_ =	swait.ge [sflag:s16], $0x4000  }
0x20: {  	[sflag:s16] =	ssyncset.done $0x0  }
0x21: {  	[sflag:s16] =	ssyncadd.s32 $0xFFFFC000  }
0x22: {  	p0 =	sne.s32 s4, $0x1;
	_ =	swait.ge [sflag:s16], $0x4000  }
.Ltmp0:
0x23: {  	[sflag:s16] =	ssyncset.done $0x0;
	(pc) =	sbr.rel @!p0 .LBB2_3-.Ltmp0, $4  }
0x24: {  	[sflag:s16] =	ssyncadd.s32 $0xFFFFC000  }
0x25: {  	[hbm4b:s6+s3] =	stream.linear.scatter [tilespmem:s10], [sflag:$0x2], $0x10000, $0x38;
	[tilespmem:$0x10200] =	vst v63  }
0x26: {  	s18 =	sadd.s32 $0xFFFFFFFF, s4;
	_ =	swait.ge [sflag:s8], $0x10000  }
0x27: {  	s19 =	smov.u32 s6;
	s20 =	smov.u32 s7;
	[sflag:s8] =	ssyncset.done $0x0  }
.LBB2_2:
0x28: {  	[sflag:s8] =	ssyncadd.s32 $0xFFFF0000;
	s19 =	sadd.s32 $0x2000, s19;
	s20 =	sadd.s32 $0x40, s20  }
0x29: {  	[tilespmem:s3], [sflag:$0x2] =	stream.linear.gather [hbm4b:s20+s3], $0x200, $0x38;
	[tilespmem:$0x10200] =	vst v63  }
0x2a: {  	p0 =	sne.s32 s18, $0x1;
	s18 =	sadd.s32 $0xFFFFFFFF, s18;
	_ =	swait.ge [sflag:s8], $0x200  }
0x2b: {  	[sflag:s8] =	ssyncset.done $0x0  }
0x2c: {  	[sflag:s8] =	ssyncadd.s32 $0xFFFFFE00  }
0x2d: {  	[tilespmem:s10], [sflag:$0x1] =	stream.indirect.gather [hbm4b:s2+s9], $0x80, s3, s9, $0xb8;
	[tilespmem:$0x10200] =	vst v63  }
0x2e: {  	_ = 	snop  }
0x2f: {  	[tilespmem:s11], [sflag:$0x1] =	stream.indirect.gather [hbm4b:s2+s9], $0x80, s9, s9, $0xb8;
	[tilespmem:$0x10200] =	vst v63  }
0x30: {  	_ = 	snop  }
0x31: {  	[tilespmem:s13], [sflag:$0x1] =	stream.indirect.gather [hbm4b:s2+s9], $0x80, s12, s9, $0xb8;
	[tilespmem:$0x10200] =	vst v63  }
0x32: {  	_ = 	snop  }
0x33: {  	[tilespmem:s15], [sflag:$0x1] =	stream.indirect.gather [hbm4b:s2+s9], $0x80, s14, s9, $0xb8;
	[tilespmem:$0x10200] =	vst v63  }
0x34: {  	_ =	swait.ge [sflag:s16], $0x4000  }
0x35: {  	[sflag:s16] =	ssyncset.done $0x0  }
0x36: {  	[sflag:s16] =	ssyncadd.s32 $0xFFFFC000  }
0x37: {  	_ =	swait.ge [sflag:s16], $0x4000  }
0x38: {  	[sflag:s16] =	ssyncset.done $0x0  }
0x39: {  	[sflag:s16] =	ssyncadd.s32 $0xFFFFC000  }
0x3a: {  	_ =	swait.ge [sflag:s16], $0x4000  }
0x3b: {  	[sflag:s16] =	ssyncset.done $0x0  }
0x3c: {  	[sflag:s16] =	ssyncadd.s32 $0xFFFFC000  }
0x3d: {  	_ =	swait.ge [sflag:s16], $0x4000  }
.Ltmp1:
0x3e: {  	[sflag:s16] =	ssyncset.done $0x0;
	(pc) =	sbr.rel @p0 .LBB2_2-.Ltmp1, $4  }
0x3f: {  	[sflag:s16] =	ssyncadd.s32 $0xFFFFC000  }
0x40: {  	[hbm4b:s19+s3] =	stream.linear.scatter [tilespmem:s10], [sflag:$0x2], $0x10000, $0x38;
	[tilespmem:$0x10200] =	vst v63  }
0x41: {  	_ =	swait.ge [sflag:s8], $0x10000  }
0x42: {  	[sflag:s8] =	ssyncset.done $0x0  }
.LBB2_3:
0x43: {  	s17 =	sadd.s32 $0x1, s17  }
0x44: {  	p0 =	sne.s32 s17, s5  }
.Ltmp2:
0x45: {  	_ = 	snop;
	(pc) =	sbr.rel @p0 .LBB2_1-.Ltmp2, $2  }
0x46: {  	_ =	sdelay $0x2  }
0x47: {  	[sflag:s8] =	ssyncadd.s32 $0xFFFF0000  }
0x48: {  	_ =	sfence.sel $0x180000  }
0x49: {  	[bflag:$0x0] =	sbarrier.arrive $0xFFFF  }
0x4a: {  	p0 =	sne.s32 s0, $0x0;
	_ =	strace $0x9000004D  }
0x4b: {  	s0 =	sadd.s32 @!p0 $0x100000, s1;
	[bflag:$0x2] =	sbarrier.arrive $0xFFFF  }
0x4c: {  	[sflag:s0] =	ssyncadd.tile.s32 @!p0 $0x1;
	_ =	shalt  }
.Lfunc_end2:
_tile_overlayer_lowered:
.L_overlay_start_2:
0x4d: {  	(tag) =	ssettag $0x2  }
0x4e: {  	s0 =	rddreg [dreg:$0x0];
	s2 =	stileid.u32  }
0x4f: {  	s1 =	rddreg [dreg:$0x1];
	p0 =	sne.s32 s2, $0x0  }
0x50: {  	s3 =	rddreg [dreg:$0x2];
	[bflag:$0x3] =	sbarrier.arrive $0xFFFF;
	s2 =	simm.s32 @!p0 $0x1C02  }
0x51: {  	[timem:s3], [sflag:s2] =	dma.local @!p0 [hbm:s0], s1  }
0x52: {  	s0 =	simm.s32 @!p0 $0x2  }
0x53: {  	_ =	swait.ge @!p0 [sflag:s0], s1  }
0x54: {  	s1 =	ssub.s32 @!p0 $0x0, s1;
	[sflag:s0] =	ssyncset.done @!p0 $0x0  }
0x55: {  	[sflag:s0] =	ssyncadd.s32 @!p0 s1  }
0x56: {  	[bflag:$0x3] =	sbarrier.arrive $0xFFFF  }
0x57: {  	_ =	shalt  }

</sc_bundles>
